<compile_context>
chip_gen: v7x
topology: tpu7x:2x2x1
jax: 0.10.2.dev20260603
libtpu: 0.0.44.dev20260713+nightly
codegen_flags: <defaults>
</compile_context>

<pallas_src>
import jax
import jax.numpy as jnp
from jax import lax
from jax.experimental import pallas as pl
from jax.experimental.pallas import tpu as pltpu
from jax.experimental.pallas import tpu_sc as plsc

DIM = 64
NPAIR = 16 * 256
NTAB = NPAIR + 256

NC = 2
NS = 16
NW = NC * NS

GB = 128
NB_W = 104
NBATCH = NW * NB_W
NPAD = NBATCH * GB
K = 4


def _fuse_tables_body(wc_ref, wch_ref, ws_ref, wl_ref, b_ref, out_ref):
    wl = wl_ref[...]
    t_c = jnp.dot(wc_ref[...], wl[0:64], preferred_element_type=jnp.float32)
    t_c = t_c + b_ref[...]
    t_ch = jnp.dot(wch_ref[...], wl[64:128], preferred_element_type=jnp.float32)
    t_s = jnp.dot(ws_ref[...], wl[128:192], preferred_element_type=jnp.float32)
    for i in range(16):
        out_ref[i * 256:(i + 1) * 256, :] = t_c[i:i + 1, :] + t_ch
    out_ref[NPAIR:NTAB, :] = t_s


def _fuse_tables(W_colors, W_chars, W_specials, W_lin, b_lin):
    return pl.pallas_call(
        _fuse_tables_body,
        out_shape=jax.ShapeDtypeStruct((NTAB, DIM), jnp.float32),
    )(W_colors, W_chars, W_specials, W_lin, b_lin.reshape(1, DIM))


def _sc_gather_body(idx1_h, idx2_h, table_h, out_h, idx1_v, idx2_v, rows_v,
                    sg0, sg1, sg2, sg3, so0, so1, so2, so3):
    semg = (sg0, sg1, sg2, sg3)
    semo = (so0, so1, so2, so3)
    wid = lax.axis_index("s") * NC + lax.axis_index("c")
    b0 = wid * NB_W
    c1 = pltpu.async_copy(idx1_h.at[pl.ds(b0, NB_W)], idx1_v, sg0)
    c2 = pltpu.async_copy(idx2_h.at[pl.ds(b0, NB_W)], idx2_v, sg1)
    c1.wait()
    c2.wait()

    def super_step(t, carry):
        for b in range(K):
            j = t * K + b
            b1 = (b - 1) % K
            b2 = (b - 2) % K

            @pl.when(j >= K)
            def _():
                pltpu.make_async_copy(
                    rows_v.at[b], out_h.at[pl.ds((b0 + j - K) * GB, GB)],
                    semo[b]).wait()

            @pl.when(j < NB_W)
            def _():
                pltpu.async_copy(table_h.at[idx1_v.at[j]], rows_v.at[b],
                                 semg[b])

            @pl.when(jnp.logical_and(j >= 1, j <= NB_W))
            def _():
                pltpu.make_async_copy(table_h.at[idx1_v.at[j - 1]],
                                      rows_v.at[b1], semg[b1]).wait()
                pltpu.async_copy(table_h.at[idx2_v.at[j - 1]], rows_v.at[b1],
                                 semg[b1], add=True)

            @pl.when(jnp.logical_and(j >= 2, j <= NB_W + 1))
            def _():
                pltpu.make_async_copy(table_h.at[idx2_v.at[j - 2]],
                                      rows_v.at[b2], semg[b2]).wait()
                pltpu.async_copy(rows_v.at[b2],
                                 out_h.at[pl.ds((b0 + j - 2) * GB, GB)],
                                 semo[b2])
        return carry

    lax.fori_loop(0, (NB_W + K) // K, super_step, 0)


_sc_gather = pl.kernel(
    _sc_gather_body,
    out_type=jax.ShapeDtypeStruct((NPAD, DIM), jnp.float32),
    mesh=plsc.VectorSubcoreMesh(core_axis_name="c", subcore_axis_name="s"),
    scratch_types=[
        pltpu.VMEM((NB_W, GB), jnp.int32),
        pltpu.VMEM((NB_W, GB), jnp.int32),
        pltpu.VMEM((K, GB, DIM), jnp.float32),
    ] + [pltpu.SemaphoreType.DMA] * (2 * K),
    compiler_params=pltpu.CompilerParams(use_tc_tiling_on_sc=False),
)


def kernel(colors, chars, specials, W_colors, W_chars, W_specials, W_lin, b_lin):
    table = _fuse_tables(W_colors, W_chars, W_specials, W_lin, b_lin)

    n = colors.size
    pad = NPAD - n
    idx1 = colors.reshape(-1).astype(jnp.int32) * 256 + chars.reshape(-1).astype(jnp.int32)
    idx2 = specials.reshape(-1).astype(jnp.int32) + NPAIR
    idx1 = jnp.pad(idx1, (0, pad))
    idx2 = jnp.pad(idx2, (0, pad))

    out = _sc_gather(
        idx1.reshape(NBATCH, GB),
        idx2.reshape(NBATCH, GB),
        table,
    )
    return out[:n].reshape(colors.shape + (DIM,))

# --- scband reference (transcript-rebuilt; emitter-appended) ---
"""Pipeline reference for scband-glyph-embedding-29892972380291 (READ-ONLY COPY).

The authoritative reference and input builder live on the scoring server;
editing this copy changes nothing except your own understanding.
"""

import jax, jax.numpy as jnp
import numpy as np

# GlyphEmbedding with glyph_type='color_char':
#   strategy = Targets(colors=True, chars=True, specials=True, do_linear_layer=True)
#   count_matrices = 3; each embedding has dim = dimension = 64
#   embeddings: colors -> Embedding(16, 64), chars -> Embedding(256, 64), specials -> Embedding(256, 64)
#   forward: embed each field, concat on last dim -> [.., 192], then Linear(192 -> 64)

TB, H, W = 256, 21, 79
DIM = 64

def setup_inputs(seed: int = 0) -> dict:
    key = jax.random.key(seed)
    ks = jax.random.split(key, 8)
    colors = jax.random.randint(ks[0], (TB, H, W), 0, 16)
    chars = jax.random.randint(ks[1], (TB, H, W), 0, 256)
    specials = jax.random.randint(ks[2], (TB, H, W), 0, 256)
    W_colors = jax.random.normal(ks[3], (16, DIM), dtype=jnp.float32)
    W_chars = jax.random.normal(ks[4], (256, DIM), dtype=jnp.float32)
    W_specials = jax.random.normal(ks[5], (256, DIM), dtype=jnp.float32)
    W_lin = jax.random.normal(ks[6], (3 * DIM, DIM), dtype=jnp.float32) * (1.0 / np.sqrt(3 * DIM))
    b_lin = jnp.zeros((DIM,), dtype=jnp.float32)
    return {
        "colors": colors,
        "chars": chars,
        "specials": specials,
        "W_colors": W_colors,
        "W_chars": W_chars,
        "W_specials": W_specials,
        "W_lin": W_lin,
        "b_lin": b_lin,
    }

def reference(colors, chars, specials, W_colors, W_chars, W_specials, W_lin, b_lin):
    # _select == embedding lookup (index_select path is mathematically identical)
    e_colors = jnp.take(W_colors, colors, axis=0)      # [TB, H, W, DIM]
    e_chars = jnp.take(W_chars, chars, axis=0)         # [TB, H, W, DIM]
    e_specials = jnp.take(W_specials, specials, axis=0)  # [TB, H, W, DIM]
    embedded = jnp.concatenate([e_colors, e_chars, e_specials], axis=-1)  # [TB, H, W, 3*DIM]
    # do_linear_layer=True -> nn.Linear(3*DIM, DIM)
    out = jnp.dot(embedded, W_lin) + b_lin             # [TB, H, W, DIM]
    return out

if __name__ == "__main__":
    import jax
    _d = setup_inputs()
    print(jax.jit(kernel)(*tuple(_d.values())))

</pallas_src>

<mosaic_0001>
#map = affine_map<(d0, d1) -> (0, 0)>
module attributes {stable_mosaic.version = 14 : i64} {
  func.func @_sc_gather_body(%arg0: i32, %arg1: i32, %arg2: memref<3328x128xi32, #tpu.memory_space<hbm>>, %arg3: memref<3328x128xi32, #tpu.memory_space<hbm>>, %arg4: memref<4352x64xf32, #tpu.memory_space<hbm>>, %arg5: memref<425984x64xf32, #tpu.memory_space<hbm>>, %arg6: memref<104x128xi32, #tpu.memory_space<vmem>>, %arg7: memref<104x128xi32, #tpu.memory_space<vmem>>, %arg8: memref<4x128x64xf32, #tpu.memory_space<vmem>>, %arg9: memref<!tpu.dma_semaphore, #tpu.memory_space<semaphore_mem>>, %arg10: memref<!tpu.dma_semaphore, #tpu.memory_space<semaphore_mem>>, %arg11: memref<!tpu.dma_semaphore, #tpu.memory_space<semaphore_mem>>, %arg12: memref<!tpu.dma_semaphore, #tpu.memory_space<semaphore_mem>>, %arg13: memref<!tpu.dma_semaphore, #tpu.memory_space<semaphore_mem>>, %arg14: memref<!tpu.dma_semaphore, #tpu.memory_space<semaphore_mem>>, %arg15: memref<!tpu.dma_semaphore, #tpu.memory_space<semaphore_mem>>, %arg16: memref<!tpu.dma_semaphore, #tpu.memory_space<semaphore_mem>>) attributes {dimension_semantics = [#tpu.dimension_semantics<core_parallel>, #tpu.dimension_semantics<subcore_parallel>], iteration_bounds = array<i64: 2, 16>, scalar_prefetch = 0 : i64, scratch_operands = 11 : i64, tpu.core_type = #tpu.core_type<sc_vector_subcore>, window_params = [{transform_indices = #map}, {transform_indices = #map}, {transform_indices = #map}, {transform_indices = #map}]} {
    %mul3A = arith.constant 2 : i32
    %mul3A_0 = arith.muli %arg1, %mul3A : i32
    %add3A = arith.addi %mul3A_0, %arg0 : i32
    %mul3A_1 = arith.constant 104 : i32
    %mul3A_2 = arith.muli %add3A, %mul3A_1 : i32
    %dma_start3A = arith.constant 0 : i32
    %dma_start3A_3 = tpu.memref_slice %arg2[%mul3A_2, %dma_start3A] : memref<3328x128xi32, #tpu.memory_space<hbm>> -> memref<104x128xi32, #tpu.memory_space<hbm>>
    %dma_start3A_4 = arith.constant 0 : i32
    %dma_start3A_5 = tpu.memref_slice %arg2[%mul3A_2, %dma_start3A_4] : memref<3328x128xi32, #tpu.memory_space<hbm>> -> memref<104x128xi32, #tpu.memory_space<hbm>>
    tpu.enqueue_dma source(%dma_start3A_5 : memref<104x128xi32, #tpu.memory_space<hbm>>) target(%arg6 : memref<104x128xi32, #tpu.memory_space<vmem>>) target_semaphore(%arg9 : memref<!tpu.dma_semaphore, #tpu.memory_space<semaphore_mem>>)
    %dma_start3A_6 = arith.constant 0 : i32
    %dma_start3A_7 = tpu.memref_slice %arg3[%mul3A_2, %dma_start3A_6] : memref<3328x128xi32, #tpu.memory_space<hbm>> -> memref<104x128xi32, #tpu.memory_space<hbm>>
    %dma_start3A_8 = arith.constant 0 : i32
    %dma_start3A_9 = tpu.memref_slice %arg3[%mul3A_2, %dma_start3A_8] : memref<3328x128xi32, #tpu.memory_space<hbm>> -> memref<104x128xi32, #tpu.memory_space<hbm>>
    tpu.enqueue_dma source(%dma_start3A_9 : memref<104x128xi32, #tpu.memory_space<hbm>>) target(%arg7 : memref<104x128xi32, #tpu.memory_space<vmem>>) target_semaphore(%arg10 : memref<!tpu.dma_semaphore, #tpu.memory_space<semaphore_mem>>)
    %dma_wait3A = arith.constant 0 : i32
    %dma_wait3A_10 = tpu.memref_slice %arg2[%mul3A_2, %dma_wait3A] : memref<3328x128xi32, #tpu.memory_space<hbm>> -> memref<104x128xi32, #tpu.memory_space<hbm>>
    %dma_wait3A_11 = arith.constant 0 : i32
    %dma_wait3A_12 = tpu.memref_slice %arg2[%mul3A_2, %dma_wait3A_11] : memref<3328x128xi32, #tpu.memory_space<hbm>> -> memref<104x128xi32, #tpu.memory_space<hbm>>
    tpu.wait_dma2 semaphore(%arg9 : memref<!tpu.dma_semaphore, #tpu.memory_space<semaphore_mem>>) src(%dma_wait3A_12 : memref<104x128xi32, #tpu.memory_space<hbm>>) dst(%arg6 : memref<104x128xi32, #tpu.memory_space<vmem>>)
    %dma_wait3A_13 = arith.constant 0 : i32
    %dma_wait3A_14 = tpu.memref_slice %arg3[%mul3A_2, %dma_wait3A_13] : memref<3328x128xi32, #tpu.memory_space<hbm>> -> memref<104x128xi32, #tpu.memory_space<hbm>>
    %dma_wait3A_15 = arith.constant 0 : i32
    %dma_wait3A_16 = tpu.memref_slice %arg3[%mul3A_2, %dma_wait3A_15] : memref<3328x128xi32, #tpu.memory_space<hbm>> -> memref<104x128xi32, #tpu.memory_space<hbm>>
    tpu.wait_dma2 semaphore(%arg10 : memref<!tpu.dma_semaphore, #tpu.memory_space<semaphore_mem>>) src(%dma_wait3A_16 : memref<104x128xi32, #tpu.memory_space<hbm>>) dst(%arg7 : memref<104x128xi32, #tpu.memory_space<vmem>>)
    %scan3A = arith.constant 0 : i32
    %scan3A_17 = arith.constant 0 : i32
    %scan3A_18 = arith.constant 27 : i32
    %scan3A_19 = arith.addi %scan3A_17, %scan3A_18 : i32
    %scan3A_20 = arith.constant 1 : i32
    scf.for %scan3A_22 = %scan3A_17 to %scan3A_19 step %scan3A_20  : i32 {
      %mul3A_23 = arith.constant 4 : i32
      %mul3A_24 = arith.muli %scan3A_22, %mul3A_23 : i32
      %add3A_25 = arith.constant 0 : i32
      %add3A_26 = arith.addi %mul3A_24, %add3A_25 : i32
      %ge3A = arith.constant 4 : i32
      %ge3A_27 = arith.cmpi sge, %add3A_26, %ge3A : i32
      %convert_element_type3A = arith.extui %ge3A_27 : i1 to i32
      %cond3A = arith.constant 0 : i32
      %cond3A_28 = arith.cmpi ne, %convert_element_type3A, %cond3A : i32
      scf.if %cond3A_28 {
        %add3A_137 = arith.addi %mul3A_2, %add3A_26 : i32
        %sub3A = arith.constant 4 : i32
        %sub3A_138 = arith.subi %add3A_137, %sub3A : i32
        %mul3A_139 = arith.constant 128 : i32
        %mul3A_140 = arith.muli %sub3A_138, %mul3A_139 : i32
        %dma_wait3A_141 = arith.constant 0 : i32
        %dma_wait3A_142 = arith.constant 0 : i32
        %dma_wait3A_143 = arith.constant 0 : i32
        %dma_wait3A_144 = tpu.memref_slice %arg8[%dma_wait3A_141, %dma_wait3A_142, %dma_wait3A_143] : memref<4x128x64xf32, #tpu.memory_space<vmem>> -> memref<1x128x64xf32, #tpu.memory_space<vmem>>
        %dma_wait3A_145 = tpu.memref_squeeze %dma_wait3A_144 : memref<1x128x64xf32, #tpu.memory_space<vmem>> -> memref<128x64xf32, #tpu.memory_space<vmem>>
        %dma_wait3A_146 = arith.constant 0 : i32
        %dma_wait3A_147 = tpu.memref_slice %arg5[%mul3A_140, %dma_wait3A_146] : memref<425984x64xf32, #tpu.memory_space<hbm>> -> memref<128x64xf32, #tpu.memory_space<hbm>>
        %dma_wait3A_148 = arith.constant 0 : i32
        %dma_wait3A_149 = tpu.memref_slice %arg5[%mul3A_140, %dma_wait3A_148] : memref<425984x64xf32, #tpu.memory_space<hbm>> -> memref<128x64xf32, #tpu.memory_space<hbm>>
        %dma_wait3A_150 = arith.constant 0 : i32
        %dma_wait3A_151 = arith.constant 0 : i32
        %dma_wait3A_152 = tpu.memref_slice %arg8[%dma_wait3A_141, %dma_wait3A_150, %dma_wait3A_151] : memref<4x128x64xf32, #tpu.memory_space<vmem>> -> memref<1x128x64xf32, #tpu.memory_space<vmem>>
        %dma_wait3A_153 = tpu.memref_squeeze %dma_wait3A_152 : memref<1x128x64xf32, #tpu.memory_space<vmem>> -> memref<128x64xf32, #tpu.memory_space<vmem>>
        tpu.wait_dma2 semaphore(%arg13 : memref<!tpu.dma_semaphore, #tpu.memory_space<semaphore_mem>>) src(%dma_wait3A_153 : memref<128x64xf32, #tpu.memory_space<vmem>>) dst(%dma_wait3A_149 : memref<128x64xf32, #tpu.memory_space<hbm>>)
      } else {
      }
      %lt3A = arith.constant 104 : i32
      %lt3A_29 = arith.cmpi slt, %add3A_26, %lt3A : i32
      %convert_element_type3A_30 = arith.extui %lt3A_29 : i1 to i32
      %cond3A_31 = arith.constant 0 : i32
      %cond3A_32 = arith.cmpi ne, %convert_element_type3A_30, %cond3A_31 : i32
      scf.if %cond3A_32 {
        %dma_start3A_137 = arith.constant 0 : i32
        %dma_start3A_138 = arith.constant 0 : i32
        %dma_start3A_139 = arith.constant 0 : i32
        %dma_start3A_140 = tpu.memref_slice %arg8[%dma_start3A_137, %dma_start3A_138, %dma_start3A_139] : memref<4x128x64xf32, #tpu.memory_space<vmem>> -> memref<1x128x64xf32, #tpu.memory_space<vmem>>
        %dma_start3A_141 = tpu.memref_squeeze %dma_start3A_140 : memref<1x128x64xf32, #tpu.memory_space<vmem>> -> memref<128x64xf32, #tpu.memory_space<vmem>>
        %dma_start3A_142 = arith.constant 0 : i32
        %dma_start3A_143 = tpu.memref_slice %arg6[%add3A_26, %dma_start3A_142] : memref<104x128xi32, #tpu.memory_space<vmem>> -> memref<1x128xi32, #tpu.memory_space<vmem>>
        %dma_start3A_144 = tpu.memref_squeeze %dma_start3A_143 : memref<1x128xi32, #tpu.memory_space<vmem>> -> memref<128xi32, #tpu.memory_space<vmem>>
        %dma_start3A_145 = arith.constant 0 : i32
        %dma_start3A_146 = arith.constant 0 : i32
        %dma_start3A_147 = tpu.memref_slice %arg4[%dma_start3A_145, %dma_start3A_146] : memref<4352x64xf32, #tpu.memory_space<hbm>> -> memref<4352x64xf32, #tpu.memory_space<hbm>>
        tpu.enqueue_indirect_dma source(%dma_start3A_147 : memref<4352x64xf32, #tpu.memory_space<hbm>>) target(%dma_start3A_141 : memref<128x64xf32, #tpu.memory_space<vmem>>) offsets(%dma_start3A_144 : memref<128xi32, #tpu.memory_space<vmem>>) semaphore(%arg9 : memref<!tpu.dma_semaphore, #tpu.memory_space<semaphore_mem>>)
      } else {
      }
      %ge3A_33 = arith.constant 1 : i32
      %ge3A_34 = arith.cmpi sge, %add3A_26, %ge3A_33 : i32
      %le3A = arith.constant 104 : i32
      %le3A_35 = arith.cmpi sle, %add3A_26, %le3A : i32
      %and3A = arith.andi %ge3A_34, %le3A_35 : i1
      %convert_element_type3A_36 = arith.extui %and3A : i1 to i32
      %cond3A_37 = arith.constant 0 : i32
      %cond3A_38 = arith.cmpi ne, %convert_element_type3A_36, %cond3A_37 : i32
      scf.if %cond3A_38 {
        %sub3A = arith.constant 1 : i32
        %sub3A_137 = arith.subi %add3A_26, %sub3A : i32
        %dma_wait3A_138 = arith.constant 3 : i32
        %dma_wait3A_139 = arith.constant 0 : i32
        %dma_wait3A_140 = arith.constant 0 : i32
        %dma_wait3A_141 = tpu.memref_slice %arg8[%dma_wait3A_138, %dma_wait3A_139, %dma_wait3A_140] : memref<4x128x64xf32, #tpu.memory_space<vmem>> -> memref<1x128x64xf32, #tpu.memory_space<vmem>>
        %dma_wait3A_142 = tpu.memref_squeeze %dma_wait3A_141 : memref<1x128x64xf32, #tpu.memory_space<vmem>> -> memref<128x64xf32, #tpu.memory_space<vmem>>
        %dma_wait3A_143 = arith.constant 0 : i32
        %dma_wait3A_144 = tpu.memref_slice %arg6[%sub3A_137, %dma_wait3A_143] : memref<104x128xi32, #tpu.memory_space<vmem>> -> memref<1x128xi32, #tpu.memory_space<vmem>>
        %dma_wait3A_145 = tpu.memref_squeeze %dma_wait3A_144 : memref<1x128xi32, #tpu.memory_space<vmem>> -> memref<128xi32, #tpu.memory_space<vmem>>
        %dma_wait3A_146 = arith.constant 0 : i32
        %dma_wait3A_147 = arith.constant 0 : i32
        %dma_wait3A_148 = tpu.memref_slice %arg4[%dma_wait3A_146, %dma_wait3A_147] : memref<4352x64xf32, #tpu.memory_space<hbm>> -> memref<4352x64xf32, #tpu.memory_space<hbm>>
        tpu.wait_indirect_dma semaphore(%arg12 : memref<!tpu.dma_semaphore, #tpu.memory_space<semaphore_mem>>) src(%dma_wait3A_148 : memref<4352x64xf32, #tpu.memory_space<hbm>>) dst(%dma_wait3A_142 : memref<128x64xf32, #tpu.memory_space<vmem>>)
        %sub3A_149 = arith.constant 1 : i32
        %sub3A_150 = arith.subi %add3A_26, %sub3A_149 : i32
        %dma_start3A_151 = arith.constant 3 : i32
        %dma_start3A_152 = arith.constant 0 : i32
        %dma_start3A_153 = arith.constant 0 : i32
        %dma_start3A_154 = tpu.memref_slice %arg8[%dma_start3A_151, %dma_start3A_152, %dma_start3A_153] : memref<4x128x64xf32, #tpu.memory_space<vmem>> -> memref<1x128x64xf32, #tpu.memory_space<vmem>>
        %dma_start3A_155 = tpu.memref_squeeze %dma_start3A_154 : memref<1x128x64xf32, #tpu.memory_space<vmem>> -> memref<128x64xf32, #tpu.memory_space<vmem>>
        %dma_start3A_156 = arith.constant 0 : i32
        %dma_start3A_157 = tpu.memref_slice %arg7[%sub3A_150, %dma_start3A_156] : memref<104x128xi32, #tpu.memory_space<vmem>> -> memref<1x128xi32, #tpu.memory_space<vmem>>
        %dma_start3A_158 = tpu.memref_squeeze %dma_start3A_157 : memref<1x128xi32, #tpu.memory_space<vmem>> -> memref<128xi32, #tpu.memory_space<vmem>>
        %dma_start3A_159 = arith.constant 0 : i32
        %dma_start3A_160 = arith.constant 0 : i32
        %dma_start3A_161 = tpu.memref_slice %arg4[%dma_start3A_159, %dma_start3A_160] : memref<4352x64xf32, #tpu.memory_space<hbm>> -> memref<4352x64xf32, #tpu.memory_space<hbm>>
        tpu.enqueue_indirect_dma source(%dma_start3A_161 : memref<4352x64xf32, #tpu.memory_space<hbm>>) target(%dma_start3A_155 : memref<128x64xf32, #tpu.memory_space<vmem>>) offsets(%dma_start3A_158 : memref<128xi32, #tpu.memory_space<vmem>>) semaphore(%arg12 : memref<!tpu.dma_semaphore, #tpu.memory_space<semaphore_mem>>) {add = true}
      } else {
      }
      %ge3A_39 = arith.constant 2 : i32
      %ge3A_40 = arith.cmpi sge, %add3A_26, %ge3A_39 : i32
      %le3A_41 = arith.constant 105 : i32
      %le3A_42 = arith.cmpi sle, %add3A_26, %le3A_41 : i32
      %and3A_43 = arith.andi %ge3A_40, %le3A_42 : i1
      %convert_element_type3A_44 = arith.extui %and3A_43 : i1 to i32
      %cond3A_45 = arith.constant 0 : i32
      %cond3A_46 = arith.cmpi ne, %convert_element_type3A_44, %cond3A_45 : i32
      scf.if %cond3A_46 {
        %sub3A = arith.constant 2 : i32
        %sub3A_137 = arith.subi %add3A_26, %sub3A : i32
        %dma_wait3A_138 = arith.constant 2 : i32
        %dma_wait3A_139 = arith.constant 0 : i32
        %dma_wait3A_140 = arith.constant 0 : i32
        %dma_wait3A_141 = tpu.memref_slice %arg8[%dma_wait3A_138, %dma_wait3A_139, %dma_wait3A_140] : memref<4x128x64xf32, #tpu.memory_space<vmem>> -> memref<1x128x64xf32, #tpu.memory_space<vmem>>
        %dma_wait3A_142 = tpu.memref_squeeze %dma_wait3A_141 : memref<1x128x64xf32, #tpu.memory_space<vmem>> -> memref<128x64xf32, #tpu.memory_space<vmem>>
        %dma_wait3A_143 = arith.constant 0 : i32
        %dma_wait3A_144 = tpu.memref_slice %arg7[%sub3A_137, %dma_wait3A_143] : memref<104x128xi32, #tpu.memory_space<vmem>> -> memref<1x128xi32, #tpu.memory_space<vmem>>
        %dma_wait3A_145 = tpu.memref_squeeze %dma_wait3A_144 : memref<1x128xi32, #tpu.memory_space<vmem>> -> memref<128xi32, #tpu.memory_space<vmem>>
        %dma_wait3A_146 = arith.constant 0 : i32
        %dma_wait3A_147 = arith.constant 0 : i32
        %dma_wait3A_148 = tpu.memref_slice %arg4[%dma_wait3A_146, %dma_wait3A_147] : memref<4352x64xf32, #tpu.memory_space<hbm>> -> memref<4352x64xf32, #tpu.memory_space<hbm>>
        tpu.wait_indirect_dma semaphore(%arg11 : memref<!tpu.dma_semaphore, #tpu.memory_space<semaphore_mem>>) src(%dma_wait3A_148 : memref<4352x64xf32, #tpu.memory_space<hbm>>) dst(%dma_wait3A_142 : memref<128x64xf32, #tpu.memory_space<vmem>>)
        %add3A_149 = arith.addi %mul3A_2, %add3A_26 : i32
        %sub3A_150 = arith.constant 2 : i32
        %sub3A_151 = arith.subi %add3A_149, %sub3A_150 : i32
        %mul3A_152 = arith.constant 128 : i32
        %mul3A_153 = arith.muli %sub3A_151, %mul3A_152 : i32
        %dma_start3A_154 = arith.constant 2 : i32
        %dma_start3A_155 = arith.constant 0 : i32
        %dma_start3A_156 = arith.constant 0 : i32
        %dma_start3A_157 = tpu.memref_slice %arg8[%dma_start3A_154, %dma_start3A_155, %dma_start3A_156] : memref<4x128x64xf32, #tpu.memory_space<vmem>> -> memref<1x128x64xf32, #tpu.memory_space<vmem>>
        %dma_start3A_158 = tpu.memref_squeeze %dma_start3A_157 : memref<1x128x64xf32, #tpu.memory_space<vmem>> -> memref<128x64xf32, #tpu.memory_space<vmem>>
        %dma_start3A_159 = arith.constant 0 : i32
        %dma_start3A_160 = tpu.memref_slice %arg5[%mul3A_153, %dma_start3A_159] : memref<425984x64xf32, #tpu.memory_space<hbm>> -> memref<128x64xf32, #tpu.memory_space<hbm>>
        %dma_start3A_161 = arith.constant 0 : i32
        %dma_start3A_162 = tpu.memref_slice %arg5[%mul3A_153, %dma_start3A_161] : memref<425984x64xf32, #tpu.memory_space<hbm>> -> memref<128x64xf32, #tpu.memory_space<hbm>>
        %dma_start3A_163 = arith.constant 0 : i32
        %dma_start3A_164 = arith.constant 0 : i32
        %dma_start3A_165 = tpu.memref_slice %arg8[%dma_start3A_154, %dma_start3A_163, %dma_start3A_164] : memref<4x128x64xf32, #tpu.memory_space<vmem>> -> memref<1x128x64xf32, #tpu.memory_space<vmem>>
        %dma_start3A_166 = tpu.memref_squeeze %dma_start3A_165 : memref<1x128x64xf32, #tpu.memory_space<vmem>> -> memref<128x64xf32, #tpu.memory_space<vmem>>
        tpu.enqueue_dma source(%dma_start3A_166 : memref<128x64xf32, #tpu.memory_space<vmem>>) target(%dma_start3A_162 : memref<128x64xf32, #tpu.memory_space<hbm>>) target_semaphore(%arg15 : memref<!tpu.dma_semaphore, #tpu.memory_space<semaphore_mem>>)
      } else {
      }
      %mul3A_47 = arith.constant 4 : i32
      %mul3A_48 = arith.muli %scan3A_22, %mul3A_47 : i32
      %add3A_49 = arith.constant 1 : i32
      %add3A_50 = arith.addi %mul3A_48, %add3A_49 : i32
      %ge3A_51 = arith.constant 4 : i32
      %ge3A_52 = arith.cmpi sge, %add3A_50, %ge3A_51 : i32
      %convert_element_type3A_53 = arith.extui %ge3A_52 : i1 to i32
      %cond3A_54 = arith.constant 0 : i32
      %cond3A_55 = arith.cmpi ne, %convert_element_type3A_53, %cond3A_54 : i32
      scf.if %cond3A_55 {
        %add3A_137 = arith.addi %mul3A_2, %add3A_50 : i32
        %sub3A = arith.constant 4 : i32
        %sub3A_138 = arith.subi %add3A_137, %sub3A : i32
        %mul3A_139 = arith.constant 128 : i32
        %mul3A_140 = arith.muli %sub3A_138, %mul3A_139 : i32
        %dma_wait3A_141 = arith.constant 1 : i32
        %dma_wait3A_142 = arith.constant 0 : i32
        %dma_wait3A_143 = arith.constant 0 : i32
        %dma_wait3A_144 = tpu.memref_slice %arg8[%dma_wait3A_141, %dma_wait3A_142, %dma_wait3A_143] : memref<4x128x64xf32, #tpu.memory_space<vmem>> -> memref<1x128x64xf32, #tpu.memory_space<vmem>>
        %dma_wait3A_145 = tpu.memref_squeeze %dma_wait3A_144 : memref<1x128x64xf32, #tpu.memory_space<vmem>> -> memref<128x64xf32, #tpu.memory_space<vmem>>
        %dma_wait3A_146 = arith.constant 0 : i32
        %dma_wait3A_147 = tpu.memref_slice %arg5[%mul3A_140, %dma_wait3A_146] : memref<425984x64xf32, #tpu.memory_space<hbm>> -> memref<128x64xf32, #tpu.memory_space<hbm>>
        %dma_wait3A_148 = arith.constant 0 : i32
        %dma_wait3A_149 = tpu.memref_slice %arg5[%mul3A_140, %dma_wait3A_148] : memref<425984x64xf32, #tpu.memory_space<hbm>> -> memref<128x64xf32, #tpu.memory_space<hbm>>
        %dma_wait3A_150 = arith.constant 0 : i32
        %dma_wait3A_151 = arith.constant 0 : i32
        %dma_wait3A_152 = tpu.memref_slice %arg8[%dma_wait3A_141, %dma_wait3A_150, %dma_wait3A_151] : memref<4x128x64xf32, #tpu.memory_space<vmem>> -> memref<1x128x64xf32, #tpu.memory_space<vmem>>
        %dma_wait3A_153 = tpu.memref_squeeze %dma_wait3A_152 : memref<1x128x64xf32, #tpu.memory_space<vmem>> -> memref<128x64xf32, #tpu.memory_space<vmem>>
        tpu.wait_dma2 semaphore(%arg14 : memref<!tpu.dma_semaphore, #tpu.memory_space<semaphore_mem>>) src(%dma_wait3A_153 : memref<128x64xf32, #tpu.memory_space<vmem>>) dst(%dma_wait3A_149 : memref<128x64xf32, #tpu.memory_space<hbm>>)
      } else {
      }
      %lt3A_56 = arith.constant 104 : i32
      %lt3A_57 = arith.cmpi slt, %add3A_50, %lt3A_56 : i32
      %convert_element_type3A_58 = arith.extui %lt3A_57 : i1 to i32
      %cond3A_59 = arith.constant 0 : i32
      %cond3A_60 = arith.cmpi ne, %convert_element_type3A_58, %cond3A_59 : i32
      scf.if %cond3A_60 {
        %dma_start3A_137 = arith.constant 1 : i32
        %dma_start3A_138 = arith.constant 0 : i32
        %dma_start3A_139 = arith.constant 0 : i32
        %dma_start3A_140 = tpu.memref_slice %arg8[%dma_start3A_137, %dma_start3A_138, %dma_start3A_139] : memref<4x128x64xf32, #tpu.memory_space<vmem>> -> memref<1x128x64xf32, #tpu.memory_space<vmem>>
        %dma_start3A_141 = tpu.memref_squeeze %dma_start3A_140 : memref<1x128x64xf32, #tpu.memory_space<vmem>> -> memref<128x64xf32, #tpu.memory_space<vmem>>
        %dma_start3A_142 = arith.constant 0 : i32
        %dma_start3A_143 = tpu.memref_slice %arg6[%add3A_50, %dma_start3A_142] : memref<104x128xi32, #tpu.memory_space<vmem>> -> memref<1x128xi32, #tpu.memory_space<vmem>>
        %dma_start3A_144 = tpu.memref_squeeze %dma_start3A_143 : memref<1x128xi32, #tpu.memory_space<vmem>> -> memref<128xi32, #tpu.memory_space<vmem>>
        %dma_start3A_145 = arith.constant 0 : i32
        %dma_start3A_146 = arith.constant 0 : i32
        %dma_start3A_147 = tpu.memref_slice %arg4[%dma_start3A_145, %dma_start3A_146] : memref<4352x64xf32, #tpu.memory_space<hbm>> -> memref<4352x64xf32, #tpu.memory_space<hbm>>
        tpu.enqueue_indirect_dma source(%dma_start3A_147 : memref<4352x64xf32, #tpu.memory_space<hbm>>) target(%dma_start3A_141 : memref<128x64xf32, #tpu.memory_space<vmem>>) offsets(%dma_start3A_144 : memref<128xi32, #tpu.memory_space<vmem>>) semaphore(%arg10 : memref<!tpu.dma_semaphore, #tpu.memory_space<semaphore_mem>>)
      } else {
      }
      %ge3A_61 = arith.constant 1 : i32
      %ge3A_62 = arith.cmpi sge, %add3A_50, %ge3A_61 : i32
      %le3A_63 = arith.constant 104 : i32
      %le3A_64 = arith.cmpi sle, %add3A_50, %le3A_63 : i32
      %and3A_65 = arith.andi %ge3A_62, %le3A_64 : i1
      %convert_element_type3A_66 = arith.extui %and3A_65 : i1 to i32
      %cond3A_67 = arith.constant 0 : i32
      %cond3A_68 = arith.cmpi ne, %convert_element_type3A_66, %cond3A_67 : i32
      scf.if %cond3A_68 {
        %sub3A = arith.constant 1 : i32
        %sub3A_137 = arith.subi %add3A_50, %sub3A : i32
        %dma_wait3A_138 = arith.constant 0 : i32
        %dma_wait3A_139 = arith.constant 0 : i32
        %dma_wait3A_140 = arith.constant 0 : i32
        %dma_wait3A_141 = tpu.memref_slice %arg8[%dma_wait3A_138, %dma_wait3A_139, %dma_wait3A_140] : memref<4x128x64xf32, #tpu.memory_space<vmem>> -> memref<1x128x64xf32, #tpu.memory_space<vmem>>
        %dma_wait3A_142 = tpu.memref_squeeze %dma_wait3A_141 : memref<1x128x64xf32, #tpu.memory_space<vmem>> -> memref<128x64xf32, #tpu.memory_space<vmem>>
        %dma_wait3A_143 = arith.constant 0 : i32
        %dma_wait3A_144 = tpu.memref_slice %arg6[%sub3A_137, %dma_wait3A_143] : memref<104x128xi32, #tpu.memory_space<vmem>> -> memref<1x128xi32, #tpu.memory_space<vmem>>
        %dma_wait3A_145 = tpu.memref_squeeze %dma_wait3A_144 : memref<1x128xi32, #tpu.memory_space<vmem>> -> memref<128xi32, #tpu.memory_space<vmem>>
        %dma_wait3A_146 = arith.constant 0 : i32
        %dma_wait3A_147 = arith.constant 0 : i32
        %dma_wait3A_148 = tpu.memref_slice %arg4[%dma_wait3A_146, %dma_wait3A_147] : memref<4352x64xf32, #tpu.memory_space<hbm>> -> memref<4352x64xf32, #tpu.memory_space<hbm>>
        tpu.wait_indirect_dma semaphore(%arg9 : memref<!tpu.dma_semaphore, #tpu.memory_space<semaphore_mem>>) src(%dma_wait3A_148 : memref<4352x64xf32, #tpu.memory_space<hbm>>) dst(%dma_wait3A_142 : memref<128x64xf32, #tpu.memory_space<vmem>>)
        %sub3A_149 = arith.constant 1 : i32
        %sub3A_150 = arith.subi %add3A_50, %sub3A_149 : i32
        %dma_start3A_151 = arith.constant 0 : i32
        %dma_start3A_152 = arith.constant 0 : i32
        %dma_start3A_153 = arith.constant 0 : i32
        %dma_start3A_154 = tpu.memref_slice %arg8[%dma_start3A_151, %dma_start3A_152, %dma_start3A_153] : memref<4x128x64xf32, #tpu.memory_space<vmem>> -> memref<1x128x64xf32, #tpu.memory_space<vmem>>
        %dma_start3A_155 = tpu.memref_squeeze %dma_start3A_154 : memref<1x128x64xf32, #tpu.memory_space<vmem>> -> memref<128x64xf32, #tpu.memory_space<vmem>>
        %dma_start3A_156 = arith.constant 0 : i32
        %dma_start3A_157 = tpu.memref_slice %arg7[%sub3A_150, %dma_start3A_156] : memref<104x128xi32, #tpu.memory_space<vmem>> -> memref<1x128xi32, #tpu.memory_space<vmem>>
        %dma_start3A_158 = tpu.memref_squeeze %dma_start3A_157 : memref<1x128xi32, #tpu.memory_space<vmem>> -> memref<128xi32, #tpu.memory_space<vmem>>
        %dma_start3A_159 = arith.constant 0 : i32
        %dma_start3A_160 = arith.constant 0 : i32
        %dma_start3A_161 = tpu.memref_slice %arg4[%dma_start3A_159, %dma_start3A_160] : memref<4352x64xf32, #tpu.memory_space<hbm>> -> memref<4352x64xf32, #tpu.memory_space<hbm>>
        tpu.enqueue_indirect_dma source(%dma_start3A_161 : memref<4352x64xf32, #tpu.memory_space<hbm>>) target(%dma_start3A_155 : memref<128x64xf32, #tpu.memory_space<vmem>>) offsets(%dma_start3A_158 : memref<128xi32, #tpu.memory_space<vmem>>) semaphore(%arg9 : memref<!tpu.dma_semaphore, #tpu.memory_space<semaphore_mem>>) {add = true}
      } else {
      }
      %ge3A_69 = arith.constant 2 : i32
      %ge3A_70 = arith.cmpi sge, %add3A_50, %ge3A_69 : i32
      %le3A_71 = arith.constant 105 : i32
      %le3A_72 = arith.cmpi sle, %add3A_50, %le3A_71 : i32
      %and3A_73 = arith.andi %ge3A_70, %le3A_72 : i1
      %convert_element_type3A_74 = arith.extui %and3A_73 : i1 to i32
      %cond3A_75 = arith.constant 0 : i32
      %cond3A_76 = arith.cmpi ne, %convert_element_type3A_74, %cond3A_75 : i32
      scf.if %cond3A_76 {
        %sub3A = arith.constant 2 : i32
        %sub3A_137 = arith.subi %add3A_50, %sub3A : i32
        %dma_wait3A_138 = arith.constant 3 : i32
        %dma_wait3A_139 = arith.constant 0 : i32
        %dma_wait3A_140 = arith.constant 0 : i32
        %dma_wait3A_141 = tpu.memref_slice %arg8[%dma_wait3A_138, %dma_wait3A_139, %dma_wait3A_140] : memref<4x128x64xf32, #tpu.memory_space<vmem>> -> memref<1x128x64xf32, #tpu.memory_space<vmem>>
        %dma_wait3A_142 = tpu.memref_squeeze %dma_wait3A_141 : memref<1x128x64xf32, #tpu.memory_space<vmem>> -> memref<128x64xf32, #tpu.memory_space<vmem>>
        %dma_wait3A_143 = arith.constant 0 : i32
        %dma_wait3A_144 = tpu.memref_slice %arg7[%sub3A_137, %dma_wait3A_143] : memref<104x128xi32, #tpu.memory_space<vmem>> -> memref<1x128xi32, #tpu.memory_space<vmem>>
        %dma_wait3A_145 = tpu.memref_squeeze %dma_wait3A_144 : memref<1x128xi32, #tpu.memory_space<vmem>> -> memref<128xi32, #tpu.memory_space<vmem>>
        %dma_wait3A_146 = arith.constant 0 : i32
        %dma_wait3A_147 = arith.constant 0 : i32
        %dma_wait3A_148 = tpu.memref_slice %arg4[%dma_wait3A_146, %dma_wait3A_147] : memref<4352x64xf32, #tpu.memory_space<hbm>> -> memref<4352x64xf32, #tpu.memory_space<hbm>>
        tpu.wait_indirect_dma semaphore(%arg12 : memref<!tpu.dma_semaphore, #tpu.memory_space<semaphore_mem>>) src(%dma_wait3A_148 : memref<4352x64xf32, #tpu.memory_space<hbm>>) dst(%dma_wait3A_142 : memref<128x64xf32, #tpu.memory_space<vmem>>)
        %add3A_149 = arith.addi %mul3A_2, %add3A_50 : i32
        %sub3A_150 = arith.constant 2 : i32
        %sub3A_151 = arith.subi %add3A_149, %sub3A_150 : i32
        %mul3A_152 = arith.constant 128 : i32
        %mul3A_153 = arith.muli %sub3A_151, %mul3A_152 : i32
        %dma_start3A_154 = arith.constant 3 : i32
        %dma_start3A_155 = arith.constant 0 : i32
        %dma_start3A_156 = arith.constant 0 : i32
        %dma_start3A_157 = tpu.memref_slice %arg8[%dma_start3A_154, %dma_start3A_155, %dma_start3A_156] : memref<4x128x64xf32, #tpu.memory_space<vmem>> -> memref<1x128x64xf32, #tpu.memory_space<vmem>>
        %dma_start3A_158 = tpu.memref_squeeze %dma_start3A_157 : memref<1x128x64xf32, #tpu.memory_space<vmem>> -> memref<128x64xf32, #tpu.memory_space<vmem>>
        %dma_start3A_159 = arith.constant 0 : i32
        %dma_start3A_160 = tpu.memref_slice %arg5[%mul3A_153, %dma_start3A_159] : memref<425984x64xf32, #tpu.memory_space<hbm>> -> memref<128x64xf32, #tpu.memory_space<hbm>>
        %dma_start3A_161 = arith.constant 0 : i32
        %dma_start3A_162 = tpu.memref_slice %arg5[%mul3A_153, %dma_start3A_161] : memref<425984x64xf32, #tpu.memory_space<hbm>> -> memref<128x64xf32, #tpu.memory_space<hbm>>
        %dma_start3A_163 = arith.constant 0 : i32
        %dma_start3A_164 = arith.constant 0 : i32
        %dma_start3A_165 = tpu.memref_slice %arg8[%dma_start3A_154, %dma_start3A_163, %dma_start3A_164] : memref<4x128x64xf32, #tpu.memory_space<vmem>> -> memref<1x128x64xf32, #tpu.memory_space<vmem>>
        %dma_start3A_166 = tpu.memref_squeeze %dma_start3A_165 : memref<1x128x64xf32, #tpu.memory_space<vmem>> -> memref<128x64xf32, #tpu.memory_space<vmem>>
        tpu.enqueue_dma source(%dma_start3A_166 : memref<128x64xf32, #tpu.memory_space<vmem>>) target(%dma_start3A_162 : memref<128x64xf32, #tpu.memory_space<hbm>>) target_semaphore(%arg16 : memref<!tpu.dma_semaphore, #tpu.memory_space<semaphore_mem>>)
      } else {
      }
      %mul3A_77 = arith.constant 4 : i32
      %mul3A_78 = arith.muli %scan3A_22, %mul3A_77 : i32
      %add3A_79 = arith.constant 2 : i32
      %add3A_80 = arith.addi %mul3A_78, %add3A_79 : i32
      %ge3A_81 = arith.constant 4 : i32
      %ge3A_82 = arith.cmpi sge, %add3A_80, %ge3A_81 : i32
      %convert_element_type3A_83 = arith.extui %ge3A_82 : i1 to i32
      %cond3A_84 = arith.constant 0 : i32
      %cond3A_85 = arith.cmpi ne, %convert_element_type3A_83, %cond3A_84 : i32
      scf.if %cond3A_85 {
        %add3A_137 = arith.addi %mul3A_2, %add3A_80 : i32
        %sub3A = arith.constant 4 : i32
        %sub3A_138 = arith.subi %add3A_137, %sub3A : i32
        %mul3A_139 = arith.constant 128 : i32
        %mul3A_140 = arith.muli %sub3A_138, %mul3A_139 : i32
        %dma_wait3A_141 = arith.constant 2 : i32
        %dma_wait3A_142 = arith.constant 0 : i32
        %dma_wait3A_143 = arith.constant 0 : i32
        %dma_wait3A_144 = tpu.memref_slice %arg8[%dma_wait3A_141, %dma_wait3A_142, %dma_wait3A_143] : memref<4x128x64xf32, #tpu.memory_space<vmem>> -> memref<1x128x64xf32, #tpu.memory_space<vmem>>
        %dma_wait3A_145 = tpu.memref_squeeze %dma_wait3A_144 : memref<1x128x64xf32, #tpu.memory_space<vmem>> -> memref<128x64xf32, #tpu.memory_space<vmem>>
        %dma_wait3A_146 = arith.constant 0 : i32
        %dma_wait3A_147 = tpu.memref_slice %arg5[%mul3A_140, %dma_wait3A_146] : memref<425984x64xf32, #tpu.memory_space<hbm>> -> memref<128x64xf32, #tpu.memory_space<hbm>>
        %dma_wait3A_148 = arith.constant 0 : i32
        %dma_wait3A_149 = tpu.memref_slice %arg5[%mul3A_140, %dma_wait3A_148] : memref<425984x64xf32, #tpu.memory_space<hbm>> -> memref<128x64xf32, #tpu.memory_space<hbm>>
        %dma_wait3A_150 = arith.constant 0 : i32
        %dma_wait3A_151 = arith.constant 0 : i32
        %dma_wait3A_152 = tpu.memref_slice %arg8[%dma_wait3A_141, %dma_wait3A_150, %dma_wait3A_151] : memref<4x128x64xf32, #tpu.memory_space<vmem>> -> memref<1x128x64xf32, #tpu.memory_space<vmem>>
        %dma_wait3A_153 = tpu.memref_squeeze %dma_wait3A_152 : memref<1x128x64xf32, #tpu.memory_space<vmem>> -> memref<128x64xf32, #tpu.memory_space<vmem>>
        tpu.wait_dma2 semaphore(%arg15 : memref<!tpu.dma_semaphore, #tpu.memory_space<semaphore_mem>>) src(%dma_wait3A_153 : memref<128x64xf32, #tpu.memory_space<vmem>>) dst(%dma_wait3A_149 : memref<128x64xf32, #tpu.memory_space<hbm>>)
      } else {
      }
      %lt3A_86 = arith.constant 104 : i32
      %lt3A_87 = arith.cmpi slt, %add3A_80, %lt3A_86 : i32
      %convert_element_type3A_88 = arith.extui %lt3A_87 : i1 to i32
      %cond3A_89 = arith.constant 0 : i32
      %cond3A_90 = arith.cmpi ne, %convert_element_type3A_88, %cond3A_89 : i32
      scf.if %cond3A_90 {
        %dma_start3A_137 = arith.constant 2 : i32
        %dma_start3A_138 = arith.constant 0 : i32
        %dma_start3A_139 = arith.constant 0 : i32
        %dma_start3A_140 = tpu.memref_slice %arg8[%dma_start3A_137, %dma_start3A_138, %dma_start3A_139] : memref<4x128x64xf32, #tpu.memory_space<vmem>> -> memref<1x128x64xf32, #tpu.memory_space<vmem>>
        %dma_start3A_141 = tpu.memref_squeeze %dma_start3A_140 : memref<1x128x64xf32, #tpu.memory_space<vmem>> -> memref<128x64xf32, #tpu.memory_space<vmem>>
        %dma_start3A_142 = arith.constant 0 : i32
        %dma_start3A_143 = tpu.memref_slice %arg6[%add3A_80, %dma_start3A_142] : memref<104x128xi32, #tpu.memory_space<vmem>> -> memref<1x128xi32, #tpu.memory_space<vmem>>
        %dma_start3A_144 = tpu.memref_squeeze %dma_start3A_143 : memref<1x128xi32, #tpu.memory_space<vmem>> -> memref<128xi32, #tpu.memory_space<vmem>>
        %dma_start3A_145 = arith.constant 0 : i32
        %dma_start3A_146 = arith.constant 0 : i32
        %dma_start3A_147 = tpu.memref_slice %arg4[%dma_start3A_145, %dma_start3A_146] : memref<4352x64xf32, #tpu.memory_space<hbm>> -> memref<4352x64xf32, #tpu.memory_space<hbm>>
        tpu.enqueue_indirect_dma source(%dma_start3A_147 : memref<4352x64xf32, #tpu.memory_space<hbm>>) target(%dma_start3A_141 : memref<128x64xf32, #tpu.memory_space<vmem>>) offsets(%dma_start3A_144 : memref<128xi32, #tpu.memory_space<vmem>>) semaphore(%arg11 : memref<!tpu.dma_semaphore, #tpu.memory_space<semaphore_mem>>)
      } else {
      }
      %ge3A_91 = arith.constant 1 : i32
      %ge3A_92 = arith.cmpi sge, %add3A_80, %ge3A_91 : i32
      %le3A_93 = arith.constant 104 : i32
      %le3A_94 = arith.cmpi sle, %add3A_80, %le3A_93 : i32
      %and3A_95 = arith.andi %ge3A_92, %le3A_94 : i1
      %convert_element_type3A_96 = arith.extui %and3A_95 : i1 to i32
      %cond3A_97 = arith.constant 0 : i32
      %cond3A_98 = arith.cmpi ne, %convert_element_type3A_96, %cond3A_97 : i32
      scf.if %cond3A_98 {
        %sub3A = arith.constant 1 : i32
        %sub3A_137 = arith.subi %add3A_80, %sub3A : i32
        %dma_wait3A_138 = arith.constant 1 : i32
        %dma_wait3A_139 = arith.constant 0 : i32
        %dma_wait3A_140 = arith.constant 0 : i32
        %dma_wait3A_141 = tpu.memref_slice %arg8[%dma_wait3A_138, %dma_wait3A_139, %dma_wait3A_140] : memref<4x128x64xf32, #tpu.memory_space<vmem>> -> memref<1x128x64xf32, #tpu.memory_space<vmem>>
        %dma_wait3A_142 = tpu.memref_squeeze %dma_wait3A_141 : memref<1x128x64xf32, #tpu.memory_space<vmem>> -> memref<128x64xf32, #tpu.memory_space<vmem>>
        %dma_wait3A_143 = arith.constant 0 : i32
        %dma_wait3A_144 = tpu.memref_slice %arg6[%sub3A_137, %dma_wait3A_143] : memref<104x128xi32, #tpu.memory_space<vmem>> -> memref<1x128xi32, #tpu.memory_space<vmem>>
        %dma_wait3A_145 = tpu.memref_squeeze %dma_wait3A_144 : memref<1x128xi32, #tpu.memory_space<vmem>> -> memref<128xi32, #tpu.memory_space<vmem>>
        %dma_wait3A_146 = arith.constant 0 : i32
        %dma_wait3A_147 = arith.constant 0 : i32
        %dma_wait3A_148 = tpu.memref_slice %arg4[%dma_wait3A_146, %dma_wait3A_147] : memref<4352x64xf32, #tpu.memory_space<hbm>> -> memref<4352x64xf32, #tpu.memory_space<hbm>>
        tpu.wait_indirect_dma semaphore(%arg10 : memref<!tpu.dma_semaphore, #tpu.memory_space<semaphore_mem>>) src(%dma_wait3A_148 : memref<4352x64xf32, #tpu.memory_space<hbm>>) dst(%dma_wait3A_142 : memref<128x64xf32, #tpu.memory_space<vmem>>)
        %sub3A_149 = arith.constant 1 : i32
        %sub3A_150 = arith.subi %add3A_80, %sub3A_149 : i32
        %dma_start3A_151 = arith.constant 1 : i32
        %dma_start3A_152 = arith.constant 0 : i32
        %dma_start3A_153 = arith.constant 0 : i32
        %dma_start3A_154 = tpu.memref_slice %arg8[%dma_start3A_151, %dma_start3A_152, %dma_start3A_153] : memref<4x128x64xf32, #tpu.memory_space<vmem>> -> memref<1x128x64xf32, #tpu.memory_space<vmem>>
        %dma_start3A_155 = tpu.memref_squeeze %dma_start3A_154 : memref<1x128x64xf32, #tpu.memory_space<vmem>> -> memref<128x64xf32, #tpu.memory_space<vmem>>
        %dma_start3A_156 = arith.constant 0 : i32
        %dma_start3A_157 = tpu.memref_slice %arg7[%sub3A_150, %dma_start3A_156] : memref<104x128xi32, #tpu.memory_space<vmem>> -> memref<1x128xi32, #tpu.memory_space<vmem>>
        %dma_start3A_158 = tpu.memref_squeeze %dma_start3A_157 : memref<1x128xi32, #tpu.memory_space<vmem>> -> memref<128xi32, #tpu.memory_space<vmem>>
        %dma_start3A_159 = arith.constant 0 : i32
        %dma_start3A_160 = arith.constant 0 : i32
        %dma_start3A_161 = tpu.memref_slice %arg4[%dma_start3A_159, %dma_start3A_160] : memref<4352x64xf32, #tpu.memory_space<hbm>> -> memref<4352x64xf32, #tpu.memory_space<hbm>>
        tpu.enqueue_indirect_dma source(%dma_start3A_161 : memref<4352x64xf32, #tpu.memory_space<hbm>>) target(%dma_start3A_155 : memref<128x64xf32, #tpu.memory_space<vmem>>) offsets(%dma_start3A_158 : memref<128xi32, #tpu.memory_space<vmem>>) semaphore(%arg10 : memref<!tpu.dma_semaphore, #tpu.memory_space<semaphore_mem>>) {add = true}
      } else {
      }
      %ge3A_99 = arith.constant 2 : i32
      %ge3A_100 = arith.cmpi sge, %add3A_80, %ge3A_99 : i32
      %le3A_101 = arith.constant 105 : i32
      %le3A_102 = arith.cmpi sle, %add3A_80, %le3A_101 : i32
      %and3A_103 = arith.andi %ge3A_100, %le3A_102 : i1
      %convert_element_type3A_104 = arith.extui %and3A_103 : i1 to i32
      %cond3A_105 = arith.constant 0 : i32
      %cond3A_106 = arith.cmpi ne, %convert_element_type3A_104, %cond3A_105 : i32
      scf.if %cond3A_106 {
        %sub3A = arith.constant 2 : i32
        %sub3A_137 = arith.subi %add3A_80, %sub3A : i32
        %dma_wait3A_138 = arith.constant 0 : i32
        %dma_wait3A_139 = arith.constant 0 : i32
        %dma_wait3A_140 = arith.constant 0 : i32
        %dma_wait3A_141 = tpu.memref_slice %arg8[%dma_wait3A_138, %dma_wait3A_139, %dma_wait3A_140] : memref<4x128x64xf32, #tpu.memory_space<vmem>> -> memref<1x128x64xf32, #tpu.memory_space<vmem>>
        %dma_wait3A_142 = tpu.memref_squeeze %dma_wait3A_141 : memref<1x128x64xf32, #tpu.memory_space<vmem>> -> memref<128x64xf32, #tpu.memory_space<vmem>>
        %dma_wait3A_143 = arith.constant 0 : i32
        %dma_wait3A_144 = tpu.memref_slice %arg7[%sub3A_137, %dma_wait3A_143] : memref<104x128xi32, #tpu.memory_space<vmem>> -> memref<1x128xi32, #tpu.memory_space<vmem>>
        %dma_wait3A_145 = tpu.memref_squeeze %dma_wait3A_144 : memref<1x128xi32, #tpu.memory_space<vmem>> -> memref<128xi32, #tpu.memory_space<vmem>>
        %dma_wait3A_146 = arith.constant 0 : i32
        %dma_wait3A_147 = arith.constant 0 : i32
        %dma_wait3A_148 = tpu.memref_slice %arg4[%dma_wait3A_146, %dma_wait3A_147] : memref<4352x64xf32, #tpu.memory_space<hbm>> -> memref<4352x64xf32, #tpu.memory_space<hbm>>
        tpu.wait_indirect_dma semaphore(%arg9 : memref<!tpu.dma_semaphore, #tpu.memory_space<semaphore_mem>>) src(%dma_wait3A_148 : memref<4352x64xf32, #tpu.memory_space<hbm>>) dst(%dma_wait3A_142 : memref<128x64xf32, #tpu.memory_space<vmem>>)
        %add3A_149 = arith.addi %mul3A_2, %add3A_80 : i32
        %sub3A_150 = arith.constant 2 : i32
        %sub3A_151 = arith.subi %add3A_149, %sub3A_150 : i32
        %mul3A_152 = arith.constant 128 : i32
        %mul3A_153 = arith.muli %sub3A_151, %mul3A_152 : i32
        %dma_start3A_154 = arith.constant 0 : i32
        %dma_start3A_155 = arith.constant 0 : i32
        %dma_start3A_156 = arith.constant 0 : i32
        %dma_start3A_157 = tpu.memref_slice %arg8[%dma_start3A_154, %dma_start3A_155, %dma_start3A_156] : memref<4x128x64xf32, #tpu.memory_space<vmem>> -> memref<1x128x64xf32, #tpu.memory_space<vmem>>
        %dma_start3A_158 = tpu.memref_squeeze %dma_start3A_157 : memref<1x128x64xf32, #tpu.memory_space<vmem>> -> memref<128x64xf32, #tpu.memory_space<vmem>>
        %dma_start3A_159 = arith.constant 0 : i32
        %dma_start3A_160 = tpu.memref_slice %arg5[%mul3A_153, %dma_start3A_159] : memref<425984x64xf32, #tpu.memory_space<hbm>> -> memref<128x64xf32, #tpu.memory_space<hbm>>
        %dma_start3A_161 = arith.constant 0 : i32
        %dma_start3A_162 = tpu.memref_slice %arg5[%mul3A_153, %dma_start3A_161] : memref<425984x64xf32, #tpu.memory_space<hbm>> -> memref<128x64xf32, #tpu.memory_space<hbm>>
        %dma_start3A_163 = arith.constant 0 : i32
        %dma_start3A_164 = arith.constant 0 : i32
        %dma_start3A_165 = tpu.memref_slice %arg8[%dma_start3A_154, %dma_start3A_163, %dma_start3A_164] : memref<4x128x64xf32, #tpu.memory_space<vmem>> -> memref<1x128x64xf32, #tpu.memory_space<vmem>>
        %dma_start3A_166 = tpu.memref_squeeze %dma_start3A_165 : memref<1x128x64xf32, #tpu.memory_space<vmem>> -> memref<128x64xf32, #tpu.memory_space<vmem>>
        tpu.enqueue_dma source(%dma_start3A_166 : memref<128x64xf32, #tpu.memory_space<vmem>>) target(%dma_start3A_162 : memref<128x64xf32, #tpu.memory_space<hbm>>) target_semaphore(%arg13 : memref<!tpu.dma_semaphore, #tpu.memory_space<semaphore_mem>>)
      } else {
      }
      %mul3A_107 = arith.constant 4 : i32
      %mul3A_108 = arith.muli %scan3A_22, %mul3A_107 : i32
      %add3A_109 = arith.constant 3 : i32
      %add3A_110 = arith.addi %mul3A_108, %add3A_109 : i32
      %ge3A_111 = arith.constant 4 : i32
      %ge3A_112 = arith.cmpi sge, %add3A_110, %ge3A_111 : i32
      %convert_element_type3A_113 = arith.extui %ge3A_112 : i1 to i32
      %cond3A_114 = arith.constant 0 : i32
      %cond3A_115 = arith.cmpi ne, %convert_element_type3A_113, %cond3A_114 : i32
      scf.if %cond3A_115 {
        %add3A_137 = arith.addi %mul3A_2, %add3A_110 : i32
        %sub3A = arith.constant 4 : i32
        %sub3A_138 = arith.subi %add3A_137, %sub3A : i32
        %mul3A_139 = arith.constant 128 : i32
        %mul3A_140 = arith.muli %sub3A_138, %mul3A_139 : i32
        %dma_wait3A_141 = arith.constant 3 : i32
        %dma_wait3A_142 = arith.constant 0 : i32
        %dma_wait3A_143 = arith.constant 0 : i32
        %dma_wait3A_144 = tpu.memref_slice %arg8[%dma_wait3A_141, %dma_wait3A_142, %dma_wait3A_143] : memref<4x128x64xf32, #tpu.memory_space<vmem>> -> memref<1x128x64xf32, #tpu.memory_space<vmem>>
        %dma_wait3A_145 = tpu.memref_squeeze %dma_wait3A_144 : memref<1x128x64xf32, #tpu.memory_space<vmem>> -> memref<128x64xf32, #tpu.memory_space<vmem>>
        %dma_wait3A_146 = arith.constant 0 : i32
        %dma_wait3A_147 = tpu.memref_slice %arg5[%mul3A_140, %dma_wait3A_146] : memref<425984x64xf32, #tpu.memory_space<hbm>> -> memref<128x64xf32, #tpu.memory_space<hbm>>
        %dma_wait3A_148 = arith.constant 0 : i32
        %dma_wait3A_149 = tpu.memref_slice %arg5[%mul3A_140, %dma_wait3A_148] : memref<425984x64xf32, #tpu.memory_space<hbm>> -> memref<128x64xf32, #tpu.memory_space<hbm>>
        %dma_wait3A_150 = arith.constant 0 : i32
        %dma_wait3A_151 = arith.constant 0 : i32
        %dma_wait3A_152 = tpu.memref_slice %arg8[%dma_wait3A_141, %dma_wait3A_150, %dma_wait3A_151] : memref<4x128x64xf32, #tpu.memory_space<vmem>> -> memref<1x128x64xf32, #tpu.memory_space<vmem>>
        %dma_wait3A_153 = tpu.memref_squeeze %dma_wait3A_152 : memref<1x128x64xf32, #tpu.memory_space<vmem>> -> memref<128x64xf32, #tpu.memory_space<vmem>>
        tpu.wait_dma2 semaphore(%arg16 : memref<!tpu.dma_semaphore, #tpu.memory_space<semaphore_mem>>) src(%dma_wait3A_153 : memref<128x64xf32, #tpu.memory_space<vmem>>) dst(%dma_wait3A_149 : memref<128x64xf32, #tpu.memory_space<hbm>>)
      } else {
      }
      %lt3A_116 = arith.constant 104 : i32
      %lt3A_117 = arith.cmpi slt, %add3A_110, %lt3A_116 : i32
      %convert_element_type3A_118 = arith.extui %lt3A_117 : i1 to i32
      %cond3A_119 = arith.constant 0 : i32
      %cond3A_120 = arith.cmpi ne, %convert_element_type3A_118, %cond3A_119 : i32
      scf.if %cond3A_120 {
        %dma_start3A_137 = arith.constant 3 : i32
        %dma_start3A_138 = arith.constant 0 : i32
        %dma_start3A_139 = arith.constant 0 : i32
        %dma_start3A_140 = tpu.memref_slice %arg8[%dma_start3A_137, %dma_start3A_138, %dma_start3A_139] : memref<4x128x64xf32, #tpu.memory_space<vmem>> -> memref<1x128x64xf32, #tpu.memory_space<vmem>>
        %dma_start3A_141 = tpu.memref_squeeze %dma_start3A_140 : memref<1x128x64xf32, #tpu.memory_space<vmem>> -> memref<128x64xf32, #tpu.memory_space<vmem>>
        %dma_start3A_142 = arith.constant 0 : i32
        %dma_start3A_143 = tpu.memref_slice %arg6[%add3A_110, %dma_start3A_142] : memref<104x128xi32, #tpu.memory_space<vmem>> -> memref<1x128xi32, #tpu.memory_space<vmem>>
        %dma_start3A_144 = tpu.memref_squeeze %dma_start3A_143 : memref<1x128xi32, #tpu.memory_space<vmem>> -> memref<128xi32, #tpu.memory_space<vmem>>
        %dma_start3A_145 = arith.constant 0 : i32
        %dma_start3A_146 = arith.constant 0 : i32
        %dma_start3A_147 = tpu.memref_slice %arg4[%dma_start3A_145, %dma_start3A_146] : memref<4352x64xf32, #tpu.memory_space<hbm>> -> memref<4352x64xf32, #tpu.memory_space<hbm>>
        tpu.enqueue_indirect_dma source(%dma_start3A_147 : memref<4352x64xf32, #tpu.memory_space<hbm>>) target(%dma_start3A_141 : memref<128x64xf32, #tpu.memory_space<vmem>>) offsets(%dma_start3A_144 : memref<128xi32, #tpu.memory_space<vmem>>) semaphore(%arg12 : memref<!tpu.dma_semaphore, #tpu.memory_space<semaphore_mem>>)
      } else {
      }
      %ge3A_121 = arith.constant 1 : i32
      %ge3A_122 = arith.cmpi sge, %add3A_110, %ge3A_121 : i32
      %le3A_123 = arith.constant 104 : i32
      %le3A_124 = arith.cmpi sle, %add3A_110, %le3A_123 : i32
      %and3A_125 = arith.andi %ge3A_122, %le3A_124 : i1
      %convert_element_type3A_126 = arith.extui %and3A_125 : i1 to i32
      %cond3A_127 = arith.constant 0 : i32
      %cond3A_128 = arith.cmpi ne, %convert_element_type3A_126, %cond3A_127 : i32
      scf.if %cond3A_128 {
        %sub3A = arith.constant 1 : i32
        %sub3A_137 = arith.subi %add3A_110, %sub3A : i32
        %dma_wait3A_138 = arith.constant 2 : i32
        %dma_wait3A_139 = arith.constant 0 : i32
        %dma_wait3A_140 = arith.constant 0 : i32
        %dma_wait3A_141 = tpu.memref_slice %arg8[%dma_wait3A_138, %dma_wait3A_139, %dma_wait3A_140] : memref<4x128x64xf32, #tpu.memory_space<vmem>> -> memref<1x128x64xf32, #tpu.memory_space<vmem>>
        %dma_wait3A_142 = tpu.memref_squeeze %dma_wait3A_141 : memref<1x128x64xf32, #tpu.memory_space<vmem>> -> memref<128x64xf32, #tpu.memory_space<vmem>>
        %dma_wait3A_143 = arith.constant 0 : i32
        %dma_wait3A_144 = tpu.memref_slice %arg6[%sub3A_137, %dma_wait3A_143] : memref<104x128xi32, #tpu.memory_space<vmem>> -> memref<1x128xi32, #tpu.memory_space<vmem>>
        %dma_wait3A_145 = tpu.memref_squeeze %dma_wait3A_144 : memref<1x128xi32, #tpu.memory_space<vmem>> -> memref<128xi32, #tpu.memory_space<vmem>>
        %dma_wait3A_146 = arith.constant 0 : i32
        %dma_wait3A_147 = arith.constant 0 : i32
        %dma_wait3A_148 = tpu.memref_slice %arg4[%dma_wait3A_146, %dma_wait3A_147] : memref<4352x64xf32, #tpu.memory_space<hbm>> -> memref<4352x64xf32, #tpu.memory_space<hbm>>
        tpu.wait_indirect_dma semaphore(%arg11 : memref<!tpu.dma_semaphore, #tpu.memory_space<semaphore_mem>>) src(%dma_wait3A_148 : memref<4352x64xf32, #tpu.memory_space<hbm>>) dst(%dma_wait3A_142 : memref<128x64xf32, #tpu.memory_space<vmem>>)
        %sub3A_149 = arith.constant 1 : i32
        %sub3A_150 = arith.subi %add3A_110, %sub3A_149 : i32
        %dma_start3A_151 = arith.constant 2 : i32
        %dma_start3A_152 = arith.constant 0 : i32
        %dma_start3A_153 = arith.constant 0 : i32
        %dma_start3A_154 = tpu.memref_slice %arg8[%dma_start3A_151, %dma_start3A_152, %dma_start3A_153] : memref<4x128x64xf32, #tpu.memory_space<vmem>> -> memref<1x128x64xf32, #tpu.memory_space<vmem>>
        %dma_start3A_155 = tpu.memref_squeeze %dma_start3A_154 : memref<1x128x64xf32, #tpu.memory_space<vmem>> -> memref<128x64xf32, #tpu.memory_space<vmem>>
        %dma_start3A_156 = arith.constant 0 : i32
        %dma_start3A_157 = tpu.memref_slice %arg7[%sub3A_150, %dma_start3A_156] : memref<104x128xi32, #tpu.memory_space<vmem>> -> memref<1x128xi32, #tpu.memory_space<vmem>>
        %dma_start3A_158 = tpu.memref_squeeze %dma_start3A_157 : memref<1x128xi32, #tpu.memory_space<vmem>> -> memref<128xi32, #tpu.memory_space<vmem>>
        %dma_start3A_159 = arith.constant 0 : i32
        %dma_start3A_160 = arith.constant 0 : i32
        %dma_start3A_161 = tpu.memref_slice %arg4[%dma_start3A_159, %dma_start3A_160] : memref<4352x64xf32, #tpu.memory_space<hbm>> -> memref<4352x64xf32, #tpu.memory_space<hbm>>
        tpu.enqueue_indirect_dma source(%dma_start3A_161 : memref<4352x64xf32, #tpu.memory_space<hbm>>) target(%dma_start3A_155 : memref<128x64xf32, #tpu.memory_space<vmem>>) offsets(%dma_start3A_158 : memref<128xi32, #tpu.memory_space<vmem>>) semaphore(%arg11 : memref<!tpu.dma_semaphore, #tpu.memory_space<semaphore_mem>>) {add = true}
      } else {
      }
      %ge3A_129 = arith.constant 2 : i32
      %ge3A_130 = arith.cmpi sge, %add3A_110, %ge3A_129 : i32
      %le3A_131 = arith.constant 105 : i32
      %le3A_132 = arith.cmpi sle, %add3A_110, %le3A_131 : i32
      %and3A_133 = arith.andi %ge3A_130, %le3A_132 : i1
      %convert_element_type3A_134 = arith.extui %and3A_133 : i1 to i32
      %cond3A_135 = arith.constant 0 : i32
      %cond3A_136 = arith.cmpi ne, %convert_element_type3A_134, %cond3A_135 : i32
      scf.if %cond3A_136 {
        %sub3A = arith.constant 2 : i32
        %sub3A_137 = arith.subi %add3A_110, %sub3A : i32
        %dma_wait3A_138 = arith.constant 1 : i32
        %dma_wait3A_139 = arith.constant 0 : i32
        %dma_wait3A_140 = arith.constant 0 : i32
        %dma_wait3A_141 = tpu.memref_slice %arg8[%dma_wait3A_138, %dma_wait3A_139, %dma_wait3A_140] : memref<4x128x64xf32, #tpu.memory_space<vmem>> -> memref<1x128x64xf32, #tpu.memory_space<vmem>>
        %dma_wait3A_142 = tpu.memref_squeeze %dma_wait3A_141 : memref<1x128x64xf32, #tpu.memory_space<vmem>> -> memref<128x64xf32, #tpu.memory_space<vmem>>
        %dma_wait3A_143 = arith.constant 0 : i32
        %dma_wait3A_144 = tpu.memref_slice %arg7[%sub3A_137, %dma_wait3A_143] : memref<104x128xi32, #tpu.memory_space<vmem>> -> memref<1x128xi32, #tpu.memory_space<vmem>>
        %dma_wait3A_145 = tpu.memref_squeeze %dma_wait3A_144 : memref<1x128xi32, #tpu.memory_space<vmem>> -> memref<128xi32, #tpu.memory_space<vmem>>
        %dma_wait3A_146 = arith.constant 0 : i32
        %dma_wait3A_147 = arith.constant 0 : i32
        %dma_wait3A_148 = tpu.memref_slice %arg4[%dma_wait3A_146, %dma_wait3A_147] : memref<4352x64xf32, #tpu.memory_space<hbm>> -> memref<4352x64xf32, #tpu.memory_space<hbm>>
        tpu.wait_indirect_dma semaphore(%arg10 : memref<!tpu.dma_semaphore, #tpu.memory_space<semaphore_mem>>) src(%dma_wait3A_148 : memref<4352x64xf32, #tpu.memory_space<hbm>>) dst(%dma_wait3A_142 : memref<128x64xf32, #tpu.memory_space<vmem>>)
        %add3A_149 = arith.addi %mul3A_2, %add3A_110 : i32
        %sub3A_150 = arith.constant 2 : i32
        %sub3A_151 = arith.subi %add3A_149, %sub3A_150 : i32
        %mul3A_152 = arith.constant 128 : i32
        %mul3A_153 = arith.muli %sub3A_151, %mul3A_152 : i32
        %dma_start3A_154 = arith.constant 1 : i32
        %dma_start3A_155 = arith.constant 0 : i32
        %dma_start3A_156 = arith.constant 0 : i32
        %dma_start3A_157 = tpu.memref_slice %arg8[%dma_start3A_154, %dma_start3A_155, %dma_start3A_156] : memref<4x128x64xf32, #tpu.memory_space<vmem>> -> memref<1x128x64xf32, #tpu.memory_space<vmem>>
        %dma_start3A_158 = tpu.memref_squeeze %dma_start3A_157 : memref<1x128x64xf32, #tpu.memory_space<vmem>> -> memref<128x64xf32, #tpu.memory_space<vmem>>
        %dma_start3A_159 = arith.constant 0 : i32
        %dma_start3A_160 = tpu.memref_slice %arg5[%mul3A_153, %dma_start3A_159] : memref<425984x64xf32, #tpu.memory_space<hbm>> -> memref<128x64xf32, #tpu.memory_space<hbm>>
        %dma_start3A_161 = arith.constant 0 : i32
        %dma_start3A_162 = tpu.memref_slice %arg5[%mul3A_153, %dma_start3A_161] : memref<425984x64xf32, #tpu.memory_space<hbm>> -> memref<128x64xf32, #tpu.memory_space<hbm>>
        %dma_start3A_163 = arith.constant 0 : i32
        %dma_start3A_164 = arith.constant 0 : i32
        %dma_start3A_165 = tpu.memref_slice %arg8[%dma_start3A_154, %dma_start3A_163, %dma_start3A_164] : memref<4x128x64xf32, #tpu.memory_space<vmem>> -> memref<1x128x64xf32, #tpu.memory_space<vmem>>
        %dma_start3A_166 = tpu.memref_squeeze %dma_start3A_165 : memref<1x128x64xf32, #tpu.memory_space<vmem>> -> memref<128x64xf32, #tpu.memory_space<vmem>>
        tpu.enqueue_dma source(%dma_start3A_166 : memref<128x64xf32, #tpu.memory_space<vmem>>) target(%dma_start3A_162 : memref<128x64xf32, #tpu.memory_space<hbm>>) target_semaphore(%arg14 : memref<!tpu.dma_semaphore, #tpu.memory_space<semaphore_mem>>)
      } else {
      }
    }
    %scan3A_21 = arith.constant 27 : i32
    return
  }
}

module attributes {stable_mosaic.version = 14 : i64} {
  func.func @_fuse_tables_body(%arg0: memref<16x64xf32, #tpu.memory_space<vmem>>, %arg1: memref<256x64xf32, #tpu.memory_space<vmem>>, %arg2: memref<256x64xf32, #tpu.memory_space<vmem>>, %arg3: memref<192x64xf32, #tpu.memory_space<vmem>>, %arg4: memref<1x64xf32, #tpu.memory_space<vmem>>, %arg5: memref<4352x64xf32, #tpu.memory_space<vmem>>) attributes {dimension_semantics = [], scalar_prefetch = 0 : i64, scratch_operands = 0 : i64, tpu.core_type = #tpu.core_type<tc>} {
    %get3A = arith.constant 0 : index
    %get3A_0 = arith.constant 0 : index
    %get3A_1 = vector.load %arg3[%get3A, %get3A_0] : memref<192x64xf32, #tpu.memory_space<vmem>>, vector<192x64xf32>
    %get3A_2 = arith.constant 0 : index
    %get3A_3 = arith.constant 0 : index
    %get3A_4 = vector.load %arg0[%get3A_2, %get3A_3] : memref<16x64xf32, #tpu.memory_space<vmem>>, vector<16x64xf32>
    %slice3A = vector.extract_strided_slice %get3A_1 {offsets = [0, 0], sizes = [64, 64], strides = [1, 1]} : vector<192x64xf32> to vector<64x64xf32>
    %dot_general3A = arith.constant dense<0.000000e+00> : vector<16x64xf32>
    %dot_general3A_5 = tpu.matmul %get3A_4, %slice3A, %dot_general3A {dimension_numbers = #tpu.dot_dimension_numbers<[1], [0], [0], [1], [0, 0, 1, 1], [], []>, transpose_lhs_hint = false} : vector<16x64xf32>, vector<64x64xf32>, vector<16x64xf32> -> vector<16x64xf32>
    %get3A_6 = arith.constant 0 : index
    %get3A_7 = arith.constant 0 : index
    %get3A_8 = vector.load %arg4[%get3A_6, %get3A_7] : memref<1x64xf32, #tpu.memory_space<vmem>>, vector<1x64xf32>
    %add3A = vector.broadcast %get3A_8 : vector<1x64xf32> to vector<16x64xf32>
    %add3A_9 = arith.addf %dot_general3A_5, %add3A : vector<16x64xf32>
    %get3A_10 = arith.constant 0 : index
    %get3A_11 = arith.constant 0 : index
    %get3A_12 = vector.load %arg1[%get3A_10, %get3A_11] : memref<256x64xf32, #tpu.memory_space<vmem>>, vector<256x64xf32>
    %slice3A_13 = vector.extract_strided_slice %get3A_1 {offsets = [64, 0], sizes = [64, 64], strides = [1, 1]} : vector<192x64xf32> to vector<64x64xf32>
    %dot_general3A_14 = arith.constant dense<0.000000e+00> : vector<256x64xf32>
    %dot_general3A_15 = tpu.matmul %get3A_12, %slice3A_13, %dot_general3A_14 {dimension_numbers = #tpu.dot_dimension_numbers<[1], [0], [0], [1], [0, 0, 1, 1], [], []>, transpose_lhs_hint = false} : vector<256x64xf32>, vector<64x64xf32>, vector<256x64xf32> -> vector<256x64xf32>
    %get3A_16 = arith.constant 0 : index
    %get3A_17 = arith.constant 0 : index
    %get3A_18 = vector.load %arg2[%get3A_16, %get3A_17] : memref<256x64xf32, #tpu.memory_space<vmem>>, vector<256x64xf32>
    %slice3A_19 = vector.extract_strided_slice %get3A_1 {offsets = [128, 0], sizes = [64, 64], strides = [1, 1]} : vector<192x64xf32> to vector<64x64xf32>
    %dot_general3A_20 = arith.constant dense<0.000000e+00> : vector<256x64xf32>
    %dot_general3A_21 = tpu.matmul %get3A_18, %slice3A_19, %dot_general3A_20 {dimension_numbers = #tpu.dot_dimension_numbers<[1], [0], [0], [1], [0, 0, 1, 1], [], []>, transpose_lhs_hint = false} : vector<256x64xf32>, vector<64x64xf32>, vector<256x64xf32> -> vector<256x64xf32>
    %slice3A_22 = vector.extract_strided_slice %add3A_9 {offsets = [0, 0], sizes = [1, 64], strides = [1, 1]} : vector<16x64xf32> to vector<1x64xf32>
    %add3A_23 = vector.broadcast %slice3A_22 : vector<1x64xf32> to vector<256x64xf32>
    %add3A_24 = arith.addf %add3A_23, %dot_general3A_15 : vector<256x64xf32>
    %swap3A = arith.constant 0 : index
    %swap3A_25 = arith.constant 0 : index
    %swap3A_26 = vector.load %arg5[%swap3A, %swap3A_25] : memref<4352x64xf32, #tpu.memory_space<vmem>>, vector<256x64xf32>
    tpu.vector_store %arg5[%swap3A, %swap3A_25], %add3A_24 {strides = array<i32>} : memref<4352x64xf32, #tpu.memory_space<vmem>>, vector<256x64xf32>,
    %slice3A_27 = vector.extract_strided_slice %add3A_9 {offsets = [1, 0], sizes = [1, 64], strides = [1, 1]} : vector<16x64xf32> to vector<1x64xf32>
    %add3A_28 = vector.broadcast %slice3A_27 : vector<1x64xf32> to vector<256x64xf32>
    %add3A_29 = arith.addf %add3A_28, %dot_general3A_15 : vector<256x64xf32>
    %swap3A_30 = arith.constant 256 : index
    %swap3A_31 = arith.constant 0 : index
    %swap3A_32 = vector.load %arg5[%swap3A_30, %swap3A_31] : memref<4352x64xf32, #tpu.memory_space<vmem>>, vector<256x64xf32>
    tpu.vector_store %arg5[%swap3A_30, %swap3A_31], %add3A_29 {strides = array<i32>} : memref<4352x64xf32, #tpu.memory_space<vmem>>, vector<256x64xf32>,
    %slice3A_33 = vector.extract_strided_slice %add3A_9 {offsets = [2, 0], sizes = [1, 64], strides = [1, 1]} : vector<16x64xf32> to vector<1x64xf32>
    %add3A_34 = vector.broadcast %slice3A_33 : vector<1x64xf32> to vector<256x64xf32>
    %add3A_35 = arith.addf %add3A_34, %dot_general3A_15 : vector<256x64xf32>
    %swap3A_36 = arith.constant 512 : index
    %swap3A_37 = arith.constant 0 : index
    %swap3A_38 = vector.load %arg5[%swap3A_36, %swap3A_37] : memref<4352x64xf32, #tpu.memory_space<vmem>>, vector<256x64xf32>
    tpu.vector_store %arg5[%swap3A_36, %swap3A_37], %add3A_35 {strides = array<i32>} : memref<4352x64xf32, #tpu.memory_space<vmem>>, vector<256x64xf32>,
    %slice3A_39 = vector.extract_strided_slice %add3A_9 {offsets = [3, 0], sizes = [1, 64], strides = [1, 1]} : vector<16x64xf32> to vector<1x64xf32>
    %add3A_40 = vector.broadcast %slice3A_39 : vector<1x64xf32> to vector<256x64xf32>
    %add3A_41 = arith.addf %add3A_40, %dot_general3A_15 : vector<256x64xf32>
    %swap3A_42 = arith.constant 768 : index
    %swap3A_43 = arith.constant 0 : index
    %swap3A_44 = vector.load %arg5[%swap3A_42, %swap3A_43] : memref<4352x64xf32, #tpu.memory_space<vmem>>, vector<256x64xf32>
    tpu.vector_store %arg5[%swap3A_42, %swap3A_43], %add3A_41 {strides = array<i32>} : memref<4352x64xf32, #tpu.memory_space<vmem>>, vector<256x64xf32>,
    %slice3A_45 = vector.extract_strided_slice %add3A_9 {offsets = [4, 0], sizes = [1, 64], strides = [1, 1]} : vector<16x64xf32> to vector<1x64xf32>
    %add3A_46 = vector.broadcast %slice3A_45 : vector<1x64xf32> to vector<256x64xf32>
    %add3A_47 = arith.addf %add3A_46, %dot_general3A_15 : vector<256x64xf32>
    %swap3A_48 = arith.constant 1024 : index
    %swap3A_49 = arith.constant 0 : index
    %swap3A_50 = vector.load %arg5[%swap3A_48, %swap3A_49] : memref<4352x64xf32, #tpu.memory_space<vmem>>, vector<256x64xf32>
    tpu.vector_store %arg5[%swap3A_48, %swap3A_49], %add3A_47 {strides = array<i32>} : memref<4352x64xf32, #tpu.memory_space<vmem>>, vector<256x64xf32>,
    %slice3A_51 = vector.extract_strided_slice %add3A_9 {offsets = [5, 0], sizes = [1, 64], strides = [1, 1]} : vector<16x64xf32> to vector<1x64xf32>
    %add3A_52 = vector.broadcast %slice3A_51 : vector<1x64xf32> to vector<256x64xf32>
    %add3A_53 = arith.addf %add3A_52, %dot_general3A_15 : vector<256x64xf32>
    %swap3A_54 = arith.constant 1280 : index
    %swap3A_55 = arith.constant 0 : index
    %swap3A_56 = vector.load %arg5[%swap3A_54, %swap3A_55] : memref<4352x64xf32, #tpu.memory_space<vmem>>, vector<256x64xf32>
    tpu.vector_store %arg5[%swap3A_54, %swap3A_55], %add3A_53 {strides = array<i32>} : memref<4352x64xf32, #tpu.memory_space<vmem>>, vector<256x64xf32>,
    %slice3A_57 = vector.extract_strided_slice %add3A_9 {offsets = [6, 0], sizes = [1, 64], strides = [1, 1]} : vector<16x64xf32> to vector<1x64xf32>
    %add3A_58 = vector.broadcast %slice3A_57 : vector<1x64xf32> to vector<256x64xf32>
    %add3A_59 = arith.addf %add3A_58, %dot_general3A_15 : vector<256x64xf32>
    %swap3A_60 = arith.constant 1536 : index
    %swap3A_61 = arith.constant 0 : index
    %swap3A_62 = vector.load %arg5[%swap3A_60, %swap3A_61] : memref<4352x64xf32, #tpu.memory_space<vmem>>, vector<256x64xf32>
    tpu.vector_store %arg5[%swap3A_60, %swap3A_61], %add3A_59 {strides = array<i32>} : memref<4352x64xf32, #tpu.memory_space<vmem>>, vector<256x64xf32>,
    %slice3A_63 = vector.extract_strided_slice %add3A_9 {offsets = [7, 0], sizes = [1, 64], strides = [1, 1]} : vector<16x64xf32> to vector<1x64xf32>
    %add3A_64 = vector.broadcast %slice3A_63 : vector<1x64xf32> to vector<256x64xf32>
    %add3A_65 = arith.addf %add3A_64, %dot_general3A_15 : vector<256x64xf32>
    %swap3A_66 = arith.constant 1792 : index
    %swap3A_67 = arith.constant 0 : index
    %swap3A_68 = vector.load %arg5[%swap3A_66, %swap3A_67] : memref<4352x64xf32, #tpu.memory_space<vmem>>, vector<256x64xf32>
    tpu.vector_store %arg5[%swap3A_66, %swap3A_67], %add3A_65 {strides = array<i32>} : memref<4352x64xf32, #tpu.memory_space<vmem>>, vector<256x64xf32>,
    %slice3A_69 = vector.extract_strided_slice %add3A_9 {offsets = [8, 0], sizes = [1, 64], strides = [1, 1]} : vector<16x64xf32> to vector<1x64xf32>
    %add3A_70 = vector.broadcast %slice3A_69 : vector<1x64xf32> to vector<256x64xf32>
    %add3A_71 = arith.addf %add3A_70, %dot_general3A_15 : vector<256x64xf32>
    %swap3A_72 = arith.constant 2048 : index
    %swap3A_73 = arith.constant 0 : index
    %swap3A_74 = vector.load %arg5[%swap3A_72, %swap3A_73] : memref<4352x64xf32, #tpu.memory_space<vmem>>, vector<256x64xf32>
    tpu.vector_store %arg5[%swap3A_72, %swap3A_73], %add3A_71 {strides = array<i32>} : memref<4352x64xf32, #tpu.memory_space<vmem>>, vector<256x64xf32>,
    %slice3A_75 = vector.extract_strided_slice %add3A_9 {offsets = [9, 0], sizes = [1, 64], strides = [1, 1]} : vector<16x64xf32> to vector<1x64xf32>
    %add3A_76 = vector.broadcast %slice3A_75 : vector<1x64xf32> to vector<256x64xf32>
    %add3A_77 = arith.addf %add3A_76, %dot_general3A_15 : vector<256x64xf32>
    %swap3A_78 = arith.constant 2304 : index
    %swap3A_79 = arith.constant 0 : index
    %swap3A_80 = vector.load %arg5[%swap3A_78, %swap3A_79] : memref<4352x64xf32, #tpu.memory_space<vmem>>, vector<256x64xf32>
    tpu.vector_store %arg5[%swap3A_78, %swap3A_79], %add3A_77 {strides = array<i32>} : memref<4352x64xf32, #tpu.memory_space<vmem>>, vector<256x64xf32>,
    %slice3A_81 = vector.extract_strided_slice %add3A_9 {offsets = [10, 0], sizes = [1, 64], strides = [1, 1]} : vector<16x64xf32> to vector<1x64xf32>
    %add3A_82 = vector.broadcast %slice3A_81 : vector<1x64xf32> to vector<256x64xf32>
    %add3A_83 = arith.addf %add3A_82, %dot_general3A_15 : vector<256x64xf32>
    %swap3A_84 = arith.constant 2560 : index
    %swap3A_85 = arith.constant 0 : index
    %swap3A_86 = vector.load %arg5[%swap3A_84, %swap3A_85] : memref<4352x64xf32, #tpu.memory_space<vmem>>, vector<256x64xf32>
    tpu.vector_store %arg5[%swap3A_84, %swap3A_85], %add3A_83 {strides = array<i32>} : memref<4352x64xf32, #tpu.memory_space<vmem>>, vector<256x64xf32>,
    %slice3A_87 = vector.extract_strided_slice %add3A_9 {offsets = [11, 0], sizes = [1, 64], strides = [1, 1]} : vector<16x64xf32> to vector<1x64xf32>
    %add3A_88 = vector.broadcast %slice3A_87 : vector<1x64xf32> to vector<256x64xf32>
    %add3A_89 = arith.addf %add3A_88, %dot_general3A_15 : vector<256x64xf32>
    %swap3A_90 = arith.constant 2816 : index
    %swap3A_91 = arith.constant 0 : index
    %swap3A_92 = vector.load %arg5[%swap3A_90, %swap3A_91] : memref<4352x64xf32, #tpu.memory_space<vmem>>, vector<256x64xf32>
    tpu.vector_store %arg5[%swap3A_90, %swap3A_91], %add3A_89 {strides = array<i32>} : memref<4352x64xf32, #tpu.memory_space<vmem>>, vector<256x64xf32>,
    %slice3A_93 = vector.extract_strided_slice %add3A_9 {offsets = [12, 0], sizes = [1, 64], strides = [1, 1]} : vector<16x64xf32> to vector<1x64xf32>
    %add3A_94 = vector.broadcast %slice3A_93 : vector<1x64xf32> to vector<256x64xf32>
    %add3A_95 = arith.addf %add3A_94, %dot_general3A_15 : vector<256x64xf32>
    %swap3A_96 = arith.constant 3072 : index
    %swap3A_97 = arith.constant 0 : index
    %swap3A_98 = vector.load %arg5[%swap3A_96, %swap3A_97] : memref<4352x64xf32, #tpu.memory_space<vmem>>, vector<256x64xf32>
    tpu.vector_store %arg5[%swap3A_96, %swap3A_97], %add3A_95 {strides = array<i32>} : memref<4352x64xf32, #tpu.memory_space<vmem>>, vector<256x64xf32>,
    %slice3A_99 = vector.extract_strided_slice %add3A_9 {offsets = [13, 0], sizes = [1, 64], strides = [1, 1]} : vector<16x64xf32> to vector<1x64xf32>
    %add3A_100 = vector.broadcast %slice3A_99 : vector<1x64xf32> to vector<256x64xf32>
    %add3A_101 = arith.addf %add3A_100, %dot_general3A_15 : vector<256x64xf32>
    %swap3A_102 = arith.constant 3328 : index
    %swap3A_103 = arith.constant 0 : index
    %swap3A_104 = vector.load %arg5[%swap3A_102, %swap3A_103] : memref<4352x64xf32, #tpu.memory_space<vmem>>, vector<256x64xf32>
    tpu.vector_store %arg5[%swap3A_102, %swap3A_103], %add3A_101 {strides = array<i32>} : memref<4352x64xf32, #tpu.memory_space<vmem>>, vector<256x64xf32>,
    %slice3A_105 = vector.extract_strided_slice %add3A_9 {offsets = [14, 0], sizes = [1, 64], strides = [1, 1]} : vector<16x64xf32> to vector<1x64xf32>
    %add3A_106 = vector.broadcast %slice3A_105 : vector<1x64xf32> to vector<256x64xf32>
    %add3A_107 = arith.addf %add3A_106, %dot_general3A_15 : vector<256x64xf32>
    %swap3A_108 = arith.constant 3584 : index
    %swap3A_109 = arith.constant 0 : index
    %swap3A_110 = vector.load %arg5[%swap3A_108, %swap3A_109] : memref<4352x64xf32, #tpu.memory_space<vmem>>, vector<256x64xf32>
    tpu.vector_store %arg5[%swap3A_108, %swap3A_109], %add3A_107 {strides = array<i32>} : memref<4352x64xf32, #tpu.memory_space<vmem>>, vector<256x64xf32>,
    %slice3A_111 = vector.extract_strided_slice %add3A_9 {offsets = [15, 0], sizes = [1, 64], strides = [1, 1]} : vector<16x64xf32> to vector<1x64xf32>
    %add3A_112 = vector.broadcast %slice3A_111 : vector<1x64xf32> to vector<256x64xf32>
    %add3A_113 = arith.addf %add3A_112, %dot_general3A_15 : vector<256x64xf32>
    %swap3A_114 = arith.constant 3840 : index
    %swap3A_115 = arith.constant 0 : index
    %swap3A_116 = vector.load %arg5[%swap3A_114, %swap3A_115] : memref<4352x64xf32, #tpu.memory_space<vmem>>, vector<256x64xf32>
    tpu.vector_store %arg5[%swap3A_114, %swap3A_115], %add3A_113 {strides = array<i32>} : memref<4352x64xf32, #tpu.memory_space<vmem>>, vector<256x64xf32>,
    %swap3A_117 = arith.constant 4096 : index
    %swap3A_118 = arith.constant 0 : index
    %swap3A_119 = vector.load %arg5[%swap3A_117, %swap3A_118] : memref<4352x64xf32, #tpu.memory_space<vmem>>, vector<256x64xf32>
    tpu.vector_store %arg5[%swap3A_117, %swap3A_118], %dot_general3A_21 {strides = array<i32>} : memref<4352x64xf32, #tpu.memory_space<vmem>>, vector<256x64xf32>,
    return
  }
}

</mosaic_0001>

<sc_bundles>
// kernel: kernel.4.cloned.1.call-start
scs
__scs_entry_jumppad:
0x0: {  	(pc) =	sbr.rel $0x88, $3  }
0x1: {  	(tag) =	ssettag $0x0;
	lr =	simm.s32 $0x1  }
0x2: {  	[smem:$0x3F99] =	sst lr;
	_ =	strace $0xD0000000  }
0x3: {  	_ = 	snop  }
0x4: {  	_ = 	snop  }
0x5: {  	_ = 	snop  }
0x6: {  	_ = 	snop  }
0x7: {  	_ = 	snop  }
__scs_overlays_trampoline_lowered:
0x8: {  	[smem:$0x3FA8] =	sst s0  }
0x9: {  	[smem:$0x3FA9] =	sst s1  }
0xa: {  	[smem:$0x3FAA] =	sst s2  }
0xb: {  	[smem:$0x3FAB] =	sst s3  }
0xc: {  	[smem:$0x3FAC] =	sst s4  }
0xd: {  	[smem:$0x3FAD] =	sst s5  }
0xe: {  	[smem:$0x3FAE] =	sst s6  }
0xf: {  	[smem:$0x3FAF] =	sst s7  }
0x10: {  	[smem:$0x3FB0] =	sst s8  }
0x11: {  	[smem:$0x3FB1] =	sst s9;
	s0 =	simm.s32 @!p0 $0x0  }
0x12: {  	s1 =	sld [smem:$0x3F97];
	s0 =	simm.s32 @p0 $0x1  }
0x13: {  	[smem:$0x3FB2] =	sst s0;
	s0 =	simm.s32 @!p1 $0x0  }
0x14: {  	s2 =	sld [smem:$0x3F96];
	s0 =	simm.s32 @p1 $0x1  }
0x15: {  	[smem:$0x3FB3] =	sst s0;
	s0 =	simm.s32 @!p2 $0x0  }
0x16: {  	s3 =	sld [smem:$0x3FDB];
	s0 =	simm.s32 @p2 $0x1  }
0x17: {  	s4 =	simm.s32 $0x1BF5;
	[smem:$0x3FB5] =	sst s0  }
0x18: {  	s0 =	sld [smem:$0x3F98];
	_ =	swait.ge [sflag:s4], $0x0  }
0x19: {  	s7 =	sld [smem:$0x3F99]  }
0x1a: {  	s8 =	sadd.s32 $0xFFFFE003, lr  }
0x1b: {  	s9 =	sadd.s32 $0xFFFFFEF7, lr;
	s5 =	simm.s32 $0xFFFFFFFF;
	p2 =	slt.u32 s8, $0xFFFFF086  }
0x1c: {  	p1 =	slt.u32 s9, $0xF7A;
	s5 =	simm.s32 @!p2 $0x0  }
0x1d: {  	s5 =	simm.s32 @p1 $0x1;
	p0 =	seq.s32 s7, s2  }
0x1e: {  	s7 =	smul.u32 @!p0 $0xF7A, s2;
	p2 =	seq.s32 @!p0 s5, $0x0  }
0x1f: {  	s9 =	smul.u32 $0xF7A, s1;
	s8 =	simm.s32 @!p0 $0x1BF5;
	p2 =	por !p2, p0  }
0x20: {  	[sflag:s8] =	ssyncset.s32 @!p0 $0xFFFFF086;
	s6 =	sadd.s32 @!p0 s3, s7;
	s7 =	simm.s32 @!p0 $0x108  }
0x21: {  	s3 =	sadd.s32 s3, s9;
	s6 =	sadd.s32 @!p0 $0x88, s6;
	s7 =	simm.s32 @p2 $0x1082  }
0x22: {  	[simem:s7], [sflag:s8] =	dma.local @!p0 [hbm:s6], $0xF7A  }
0x23: {  	s9 =	sor.u32 $0xD0000000, s2;
	s6 =	simm.s32 $0x108;
	_ =	swait.ge @!p0 [sflag:s8], $0x0  }
0x24: {  	s3 =	sadd.s32 $0x88, s3;
	s6 =	simm.s32 @!p1 $0x1082;
	[sflag:s4] =	ssyncset.s32 $0xFFFFF086  }
0x25: {  	[simem:s6], [sflag:s4] =	dma.local [hbm:s3], $0xF7A  }
0x26: {  	[smem:$0x3F99] =	sst s1;
	(tag) =	ssettag s2;
	_ =	strace s9  }
0x27: {  	s1 =	sld [smem:$0x3FA9]  }
0x28: {  	s2 =	sld [smem:$0x3FAA]  }
0x29: {  	s4 =	sld [smem:$0x3FAC]  }
0x2a: {  	p0 =	seq.s32 s5, $0x0;
	s5 =	sld [smem:$0x3FAD]  }
0x2b: {  	s6 =	sld [smem:$0x3FAE]  }
0x2c: {  	s7 =	sld [smem:$0x3FAF]  }
0x2d: {  	s3 =	simm.s32 $0x108;
	s8 =	sld [smem:$0x3FB0]  }
0x2e: {  	s3 =	simm.s32 @!p0 $0x1082;
	s9 =	sld [smem:$0x3FB1]  }
0x2f: {  	lr =	sadd.s32 s0, s3;
	s0 =	sld [smem:$0x3FA8]  }
0x30: {  	s3 =	sld [smem:$0x3FAB]  }
0x31: {  	[smem:$0x3FB4] =	sst s10  }
0x32: {  	s10 =	sld [smem:$0x3FB2];
	_ =	sdelay $0x3  }
0x33: {  	p0 =	seq.s32 s10, $0x1;
	s10 =	sld [smem:$0x3FB4];
	_ =	sdelay $0x3  }
0x34: {  	[smem:$0x3FB4] =	sst s10  }
0x35: {  	s10 =	sld [smem:$0x3FB3];
	_ =	sdelay $0x3  }
0x36: {  	p1 =	seq.s32 s10, $0x1;
	s10 =	sld [smem:$0x3FB4];
	_ =	sdelay $0x3  }
0x37: {  	[smem:$0x3FB4] =	sst s10  }
0x38: {  	s10 =	sld [smem:$0x3FB5]  }
0x39: {  	_ = 	snop;
	(pc) =	sbr.ind lr, $3  }
0x3a: {  	_ = 	snop  }
0x3b: {  	_ = 	snop  }
0x3c: {  	p2 =	seq.s32 s10, $0x1;
	s10 =	sld [smem:$0x3FB4]  }
0x3d: {  	_ =	shalt  }
0x3e: {  	_ =	shalt  }
0x3f: {  	_ =	shalt  }
0x40: {  	_ =	shalt  }
0x41: {  	_ =	shalt  }
0x42: {  	_ =	shalt  }
0x43: {  	_ =	shalt  }
0x44: {  	_ =	shalt  }
0x45: {  	_ =	shalt  }
0x46: {  	_ =	shalt  }
0x47: {  	_ =	shalt  }
0x48: {  	_ =	shalt  }
0x49: {  	_ =	shalt  }
0x4a: {  	_ =	shalt  }
0x4b: {  	_ =	shalt  }
0x4c: {  	_ =	shalt  }
0x4d: {  	_ =	shalt  }
0x4e: {  	_ =	shalt  }
0x4f: {  	_ =	shalt  }
0x50: {  	_ =	shalt  }
0x51: {  	_ =	shalt  }
0x52: {  	_ =	shalt  }
0x53: {  	_ =	shalt  }
0x54: {  	_ =	shalt  }
0x55: {  	_ =	shalt  }
0x56: {  	_ =	shalt  }
0x57: {  	_ =	shalt  }
0x58: {  	_ =	shalt  }
0x59: {  	_ =	shalt  }
0x5a: {  	_ =	shalt  }
0x5b: {  	_ =	shalt  }
0x5c: {  	_ =	shalt  }
0x5d: {  	_ =	shalt  }
0x5e: {  	_ =	shalt  }
0x5f: {  	_ =	shalt  }
0x60: {  	_ =	shalt  }
0x61: {  	_ =	shalt  }
0x62: {  	_ =	shalt  }
0x63: {  	_ =	shalt  }
0x64: {  	_ =	shalt  }
0x65: {  	_ =	shalt  }
0x66: {  	_ =	shalt  }
0x67: {  	_ =	shalt  }
0x68: {  	_ =	shalt  }
0x69: {  	_ =	shalt  }
0x6a: {  	_ =	shalt  }
0x6b: {  	_ =	shalt  }
0x6c: {  	_ =	shalt  }
0x6d: {  	_ =	shalt  }
0x6e: {  	_ =	shalt  }
0x6f: {  	_ =	shalt  }
0x70: {  	_ =	shalt  }
0x71: {  	_ =	shalt  }
0x72: {  	_ =	shalt  }
0x73: {  	_ =	shalt  }
0x74: {  	_ =	shalt  }
0x75: {  	_ =	shalt  }
0x76: {  	_ =	shalt  }
0x77: {  	_ =	shalt  }
0x78: {  	_ =	shalt  }
0x79: {  	_ =	shalt  }
0x7a: {  	_ =	shalt  }
0x7b: {  	_ =	shalt  }
0x7c: {  	_ =	shalt  }
0x7d: {  	_ =	shalt  }
0x7e: {  	_ =	shalt  }
0x7f: {  	_ =	shalt  }
0x80: {  	_ =	shalt  }
0x81: {  	_ =	shalt  }
0x82: {  	_ =	shalt  }
0x83: {  	_ =	shalt  }
0x84: {  	_ =	shalt  }
0x85: {  	_ =	shalt  }
0x86: {  	_ =	shalt  }
0x87: {  	_ =	shalt  }
.Lfunc_end0:
.L_simem_size_0:
called_computation.1_lowered:
.L_overlay_start_0:
0x88: {  	s2 =	sld [smem:$0x3FD9]  }
0x89: {  	s3 =	sld [smem:$0x3FFE];
	_ =	sdelay $0x1  }
0x8a: {  	s1 =	srdreg.scid  }
0x8b: {  	s0 =	sand.u32 $0x1, s1  }
0x8c: {  	s17 =	sshll.u32 s0, $0xA;
	s2 =	sadd.s32 s3, s2  }
0x8d: {  	s2 =	sadd.s32 s2, s17  }
0x8e: {  	[smem:$0x3FC0] =	sst s2  }
0x8f: {  	_ = 	snop  }
0x90: {  	s2 =	sld [smem:$0x3FD0];
	(tm) =	ssettm $0x1  }
0x91: {  	s18 =	sld [smem:$0x3FFB];
	_ =	sdelay $0x3  }
0x92: {  	_ =	strace s18  }
0x93: {  	s3 =	sld [smem:$0x3FFC];
	_ =	sdelay $0x3  }
0x94: {  	_ =	strace s3  }
0x95: {  	s3 =	sld [smem:$0x3FFD];
	_ =	sdelay $0x3  }
0x96: {  	_ =	strace s3  }
0x97: {  	_ =	strace $0x8FFFFFFF  }
0x98: {  	s19 =	sld [smem:$0x3FDB];
	_ =	sdelay $0x1  }
0x99: {  	s4 =	simm.s32 $_scs_section_size  }
0x9a: {  	s5 =	simm.s32 $_size__tile_overlayer_lowered;
	s6 =	simm.s32 $_tile_overlayer_lowered  }
0x9b: {  	s22 =	simm.s32 $0x1BFF;
	s21 =	sshll.u32 s6, $0x1;
	s3 =	sadd.s32 s4, s19  }
0x9c: {  	s7 =	simm.s32 $0x0;
	s20 =	sshll.u32 s5, $0x1;
	s5 =	sadd.s32 s21, s3  }
0x9d: {  	[timem:s7], [sflag:s22] =	dma.local [hbm:s5], s20  }
0x9e: {  	_ =	swait.ge [sflag:s22], s20  }
0x9f: {  	s4 =	ssub.s32 $0x0, s20;
	[sflag:s22] =	ssyncset.done $0x0  }
0xa0: {  	[sflag:s22] =	ssyncadd.s32 s4;
	_ =	sdelay $0x1  }
0xa1: {  	s23 =	simm.s32 $0x1B8B  }
0xa2: {  	_ =	swait.ge [sflag:s23], $0x1  }
0xa3: {  	[sflag:s23] =	ssyncset.done $0x0  }
0xa4: {  	s25 =	simm.s32 $0x1B8E;
	s24 =	sld [smem:$0x3FFE];
	[sflag:s23] =	ssyncadd.s32 $0xFFFFFFFF  }
0xa5: {  	s26 =	simm.s32 $execute0_lowered;
	[smem:$0x3FD2] =	sst s25  }
0xa6: {  	s5 =	sshll.u32 s26, $0x1;
	_ =	strace $0x80000046;
	[dreg:$0x1] =	wrdreg $0xFFFFFFFF  }
0xa7: {  	s28 =	simm.s32 $_size_execute0_lowered;
	s3 =	sadd.s32 s3, s5;
	[dreg:$0x0] =	wrdreg $0x0  }
0xa8: {  	s5 =	sshll.u32 s28, $0x1;
	[dreg:$0x2] =	wrdreg s3  }
0xa9: {  	[dreg:$0x3] =	wrdreg s5  }
0xaa: {  	[dreg:$0x4] =	wrdreg $0xC0  }
0xab: {  	_ =	task [dreg:s7], $0x5FFFF  }
0xac: {  	[dreg:$0x1] =	wrdreg $0xFFFFFFFF  }
0xad: {  	[dreg:$0x0] =	wrdreg $0x60  }
0xae: {  	[dreg:$0x2] =	wrdreg s2  }
0xaf: {  	[dreg:$0x3] =	wrdreg s24  }
0xb0: {  	[dreg:$0x4] =	wrdreg $0x9  }
0xb1: {  	_ =	task.clear_ibuf [dreg:s7], $0x5FFFF;
	_ =	strace $0x90000046  }
0xb2: {  	s29 =	simm.s32 $0x9;
	_ =	strace $0x80000048  }
0xb3: {  	_ =	swait.ge [sflag:s29], $0x1  }
0xb4: {  	[sflag:s29] =	ssyncadd.s32 $0xFFFFFFFF  }
0xb5: {  	_ =	strace $0x90000048  }
0xb6: {  	_ =	sfence  }
0xb7: {  	s30 =	sld [smem:$0x0];
	_ =	sdelay $0x2  }
0xb8: {  	s31 =	sshll.u32 s1, $0xD;
	s1 =	sshrl.u32 s1, $0x2  }
0xb9: {  	s3 =	sand.u32 $0x4000, s31;
	s1 =	sadd.s32 s1, s30  }
0xba: {  	s0 =	sor.u32 s3, s0;
	s1 =	sshll.u32 s1, $0x11  }
0xbb: {  	s0 =	sor.u32 s1, s0  }
0xbc: {  	s0 =	sadd.s32 $0x8F2B, s0  }
0xbd: {  	[sflag:s0] =	ssyncadd.remote.s32 $0x1  }
0xbe: {  	_ =	sfence.sel $0xFFFF  }
0xbf: {  	[dreg:$0x0] =	wrdreg $0xFFFFFFFF;
	(pc) =	sbr.abs _section_cstart, $3  }
0xc0: {  	[dreg:$0x1] =	wrdreg $0xFFFFFFFF  }
0xc1: {  	_ =	task.clear_ibuf [dreg:s7], $0x2FFFF;
	_ =	strace $0x9FFFFFFF  }
0xc2: {  	(tm) =	ssettm $0x7FFFFFFF  }
0xc3: {  	_ =	shalt  }
tec
execute0_lowered:
.L_overlay_start_1:
0x0: {  	(tag) =	ssettag $0x1  }
0x1: {  	s1 =	srdreg.scid  }
0x2: {  	s0 =	stileid.u32;
	s6 =	rddreg [dreg:$0x0]  }
0x3: {  	s4 =	rddreg [dreg:$0x1];
	s2 =	simm.s32 $0x0;
	s13 =	simm.s32 $0x2  }
0x4: {  	s14 =	simm.s32 $0x80;
	s15 =	simm.s32 $0x6800;
	s16 =	simm.s32 $0x8800  }
0x5: {  	s17 =	simm.s32 $0xC800;
	s18 =	simm.s32 $0xA800;
	s19 =	simm.s32 $0x5  }
0x6: {  	s20 =	simm.s32 $0x4;
	s21 =	simm.s32 $0x3;
	s22 =	simm.s32 $0x6  }
0x7: {  	s3 =	sand.u32 $0x1, s1;
	s29 =	sshll.u32 s0, $0x1;
	s8 =	smul.u32 $0x1A0000, s0  }
0x8: {  	s23 =	simm.s32 $0x0;
	s5 =	sor.u32 s3, s29;
	s10 =	smul.u32 $0xD0000, s3  }
0x9: {  	[smem:$0x7FF] =	sst s2;
	s9 =	ssub.s32 $0x2, s3;
	s7 =	smul.u32 $0x680, s5  }
0xa: {  	_ =	strace $0x80000047;
	s12 =	sshrl.u32 s9, $0x1;
	s5 =	smul.u32 $0x68, s5  }
.Ltmp0:
0xb: {  	s3 =	sadd.s32 $0xDE00, s4;
	s9 =	ssub.s32 s9, s12;
	(pc) =	sbr.rel .LBB2_1-.Ltmp0, $4  }
0xc: {  	s10 =	sadd.s32 s10, s8;
	s12 =	simm.s32 $0x1;
	s11 =	sadd.s32 s7, s4  }
0xd: {  	s4 =	sadd.s32 $0x16600, s4;
	s6 =	sadd.s32 s6, s7;
	s30 =	sor.u32 $0x2000, s10  }
0xe: {  	s8 =	smax.u32 s9, $0x1;
	s10 =	sadd.s32 $0xFFFFC000, s10;
	s31 =	sshrl.u32 s30, $0x3  }
0xf: {  	s7 =	sadd.s32 $0xE00, s11;
	s11 =	simm.s32 $0x3400;
	s9 =	sadd.s32 s31, s4  }
.LBB2_9:
0x10: {  	s23 =	sadd.s32 $0x1, s23  }
0x11: {  	p0 =	sne.s32 s23, s8  }
.Ltmp1:
0x12: {  	_ = 	snop;
	(pc) =	sbr.rel @!p0 .LBB2_10-.Ltmp1, $1  }
0x13: {  	_ =	sdelay $0x3  }
.LBB2_1:
0x14: {  	[tilespmem:s2], [sflag:$0x1] =	stream.linear.gather [hbm4b:s6+s2], $0x3400, $0x38;
	[tilespmem:$0xE800] =	vst v63  }
0x15: {  	_ = 	snop  }
0x16: {  	[tilespmem:s11], [sflag:$0x2] =	stream.linear.gather [hbm4b:s7+s2], $0x3400, $0x38;
	[tilespmem:$0xE800] =	vst v63  }
0x17: {  	_ =	swait.ge [sflag:s12], $0x3400  }
.Ltmp2:
0x18: {  	[sflag:s12] =	ssyncset.done $0x0;
	(pc) =	sbr.rel .LBB2_2-.Ltmp2, $4  }
0x19: {  	[sflag:s12] =	ssyncadd.s32 $0xFFFFCC00  }
0x1a: {  	_ =	swait.ge [sflag:s13], $0x3400  }
0x1b: {  	s24 =	smov.u32 s10;
	s25 =	smov.u32 s9;
	[sflag:s13] =	ssyncset.done $0x0  }
0x1c: {  	s26 =	simm.s32 $0x3;
	s28 =	simm.s32 $0x0;
	[sflag:s13] =	ssyncadd.s32 $0xFFFFCC00  }
.LBB2_8:
0x1d: {  	p2 =	sgt.u32 s30, $0x68  }
0x1e: {  	s1 =	simm.s32 @!p2 $0x2  }
0x1f: {  	_ =	swait.ge @!p2 [sflag:s1], $0x2000  }
0x20: {  	s29 =	sshll.u32 @!p2 s29, $0x7;
	[sflag:s1] =	ssyncset.done @!p2 $0x0  }
0x21: {  	[sflag:s1] =	ssyncadd.s32 @!p2 $0xFFFFE000;
	s1 =	sand.u32 @!p2 $0x3FFFFF80, s29  }
0x22: {  	s31 =	simm.s32 @!p2 $0x8800;
	s29 =	simm.s32 @!p2 $0x80;
	s1 =	sadd.s32 @!p2 $0x3400, s1  }
0x23: {  	[tilespmem:s31], [sflag:$0x2] =	stream.indirect.gather.add.f32 @!p2 [hbm:s3], $0x40, s1, s29, $0xb8;
	[tilespmem:$0xE800] =	vst v63  }
0x24: {  	s1 =	simm.s32 @!p2 $0x1;
	s29 =	sadd.s32 @!p2 s5, s30  }
0x25: {  	_ =	swait.ge @!p2 [sflag:s1], $0x2000;
	s29 =	sshll.u32 @!p2 s29, $0xD  }
0x26: {  	[sflag:s1] =	ssyncset.done @!p2 $0x0;
	s29 =	sadd.s32 @!p2 $0xFFFFC000, s29  }
0x27: {  	[sflag:s1] =	ssyncadd.s32 @!p2 $0xFFFFE000;
	s1 =	sshrl.u32 @!p2 s29, $0x3  }
0x28: {  	s31 =	simm.s32 @!p2 $0x6800;
	s29 =	simm.s32 @!p2 $0x0;
	s1 =	sadd.s32 @!p2 s4, s1  }
0x29: {  	[hbm4b:s1+s29] =	stream.linear.scatter @!p2 [tilespmem:s31], [sflag:$0x5], $0x2000, $0x38;
	[tilespmem:$0xE800] =	vst v63  }
0x2a: {  	s1 =	simm.s32 @!p0 $0x8  }
0x2b: {  	_ =	swait.ge @!p0 [sflag:s1], $0x2000  }
0x2c: {  	[sflag:s1] =	ssyncset.done @!p0 $0x0  }
0x2d: {  	[sflag:s1] =	ssyncadd.s32 @!p0 $0xFFFFE000;
	s1 =	sshra.s32 @p1 s28, $0x2  }
0x2e: {  	p0 =	sgt.u32 s26, $0x68;
	s1 =	sadd.s32 @p1 $0x180, s1  }
0x2f: {  	[tilespmem:s17], [sflag:$0x4] =	stream.indirect.gather @p1 [hbm4b:s3+s14], $0x40, s1, s14, $0xb8;
	[tilespmem:$0xE800] =	vst v63  }
0x30: {  	s1 =	simm.s32 @!p0 $0x3  }
0x31: {  	_ =	swait.ge @!p0 [sflag:s1], $0x2000  }
0x32: {  	s29 =	sshll.u32 @!p0 s30, $0x7;
	[sflag:s1] =	ssyncset.done @!p0 $0x0  }
0x33: {  	[sflag:s1] =	ssyncadd.s32 @!p0 $0xFFFFE000;
	s1 =	sand.u32 @!p0 $0x3FFFFF80, s29  }
0x34: {  	s30 =	simm.s32 @!p0 $0xA800;
	s29 =	simm.s32 @!p0 $0x80;
	s1 =	sadd.s32 @!p0 $0x3400, s1  }
0x35: {  	[tilespmem:s30], [sflag:$0x3] =	stream.indirect.gather.add.f32 @!p0 [hbm:s3], $0x40, s1, s29, $0xb8;
	[tilespmem:$0xE800] =	vst v63  }
0x36: {  	s1 =	simm.s32 @!p0 $0x2  }
0x37: {  	_ =	swait.ge @!p0 [sflag:s1], $0x2000  }
0x38: {  	s28 =	sadd.s32 $0x800, s28;
	[sflag:s1] =	ssyncset.done @!p0 $0x0  }
0x39: {  	s29 =	simm.s32 @!p0 $0x8800;
	[sflag:s1] =	ssyncadd.s32 @!p0 $0xFFFFE000;
	s1 =	simm.s32 @!p0 $0x0  }
0x3a: {  	[hbm4b:s25+s1] =	stream.linear.scatter @!p0 [tilespmem:s29], [sflag:$0x6], $0x2000, $0x38;
	[tilespmem:$0xE800] =	vst v63  }
0x3b: {  	p0 =	sne.s32 s28, $0xD800  }
.Ltmp3:
0x3c: {  	_ = 	snop;
	(pc) =	sbr.rel @!p0 .LBB2_9-.Ltmp3, $2  }
0x3d: {  	_ =	sdelay $0x2  }
0x3e: {  	s24 =	sadd.s32 $0x8000, s24;
	s26 =	sadd.s32 $0x4, s26;
	s25 =	sadd.s32 $0x1000, s25  }
.LBB2_2:
0x3f: {  	p0 =	seq.s32 s28, $0x0  }
.Ltmp4:
0x40: {  	_ = 	snop;
	(pc) =	sbr.rel @p0 .LBB2_4-.Ltmp4, $1  }
0x41: {  	_ =	sdelay $0x3  }
0x42: {  	_ =	swait.ge [sflag:s19], $0x2000;
	p1 =	seq.s32 s28, $0xD000  }
0x43: {  	[sflag:s19] =	ssyncset.done $0x0;
	s29 =	sshra.s32 @!p1 s28, $0x2  }
0x44: {  	s30 =	simm.s32 @!p1 $0x80;
	s31 =	simm.s32 @!p1 $0x6800;
	[sflag:s19] =	ssyncadd.s32 $0xFFFFE000  }
0x45: {  	[tilespmem:s31], [sflag:$0x1] =	stream.indirect.gather @!p1 [hbm4b:s3+s30], $0x40, s29, s30, $0xb8;
	[tilespmem:$0xE800] =	vst v63  }
0x46: {  	s29 =	smov.u32 s28  }
0x47: {  	s29 =	simm.s32 @p1 $0xD000;
	_ =	swait.ge [sflag:s20], $0x2000  }
0x48: {  	[sflag:s20] =	ssyncset.done $0x0;
	s29 =	sshra.s32 s29, $0x2  }
0x49: {  	[sflag:s20] =	ssyncadd.s32 $0xFFFFE000;
	s29 =	sadd.s32 $0x3380, s29  }
0x4a: {  	[tilespmem:s17], [sflag:$0x4] =	stream.indirect.gather.add.f32 [hbm:s3], $0x40, s29, s14, $0xb8;
	[tilespmem:$0xE800] =	vst v63  }
0x4b: {  	_ =	swait.ge [sflag:s21], $0x2000  }
0x4c: {  	s29 =	sshrl.u32 s24, $0x3;
	[sflag:s21] =	ssyncset.done $0x0  }
0x4d: {  	s29 =	sadd.s32 s4, s29;
	[sflag:s21] =	ssyncadd.s32 $0xFFFFE000  }
0x4e: {  	[hbm4b:s29+s2] =	stream.linear.scatter [tilespmem:s18], [sflag:$0x7], $0x2000, $0x38;
	[tilespmem:$0xE800] =	vst v63  }
.Ltmp5:
0x4f: {  	_ = 	snop;
	(pc) =	sbr.rel @p1 .LBB2_6-.Ltmp5, $4  }
.Ltmp6:
0x50: {  	_ = 	snop;
	(pc) =	sbr.rel @!p1 .LBB2_5-.Ltmp6, $4  }
0x51: {  	_ =	swait.ge [sflag:s22], $0x2000  }
0x52: {  	[sflag:s22] =	ssyncset.done $0x0  }
0x53: {  	s29 =	sadd.s32 $0xFFFFFFFE, s26;
	[sflag:s22] =	ssyncadd.s32 $0xFFFFE000  }
0x54: {  	_ = 	snop  }
.LBB2_4:
0x55: {  	[tilespmem:s15], [sflag:$0x1] =	stream.indirect.gather [hbm4b:s3+s14], $0x40, s2, s14, $0xb8;
	[tilespmem:$0xE800] =	vst v63  }
0x56: {  	s29 =	simm.s32 $0x1  }
.LBB2_5:
0x57: {  	s30 =	sshll.u32 s29, $0x7  }
0x58: {  	s30 =	sand.u32 $0x3FFFFF80, s30  }
0x59: {  	[tilespmem:s16], [sflag:$0x2] =	stream.indirect.gather [hbm4b:s3+s14], $0x40, s30, s14, $0xb8;
	[tilespmem:$0xE800] =	vst v63  }
.LBB2_6:
0x5a: {  	p1 =	sgt.u32 s29, $0x68  }
0x5b: {  	s30 =	simm.s32 @!p1 $0x1  }
0x5c: {  	_ =	swait.ge @!p1 [sflag:s30], $0x2000  }
0x5d: {  	[sflag:s30] =	ssyncset.done @!p1 $0x0  }
0x5e: {  	[sflag:s30] =	ssyncadd.s32 @!p1 $0xFFFFE000;
	s30 =	sshra.s32 @!p1 s28, $0x2  }
0x5f: {  	s31 =	simm.s32 @!p1 $0x80;
	s1 =	simm.s32 @!p1 $0x6800;
	s30 =	sadd.s32 @!p1 $0x3400, s30  }
0x60: {  	[tilespmem:s1], [sflag:$0x1] =	stream.indirect.gather.add.f32 @!p1 [hbm:s3], $0x40, s30, s31, $0xb8;
	[tilespmem:$0xE800] =	vst v63  }
0x61: {  	s1 =	simm.s32 @!p0 $0x4;
	s30 =	sadd.s32 @!p0 s5, s29  }
0x62: {  	_ =	swait.ge @!p0 [sflag:s1], $0x2000;
	s30 =	sshll.u32 @!p0 s30, $0xD  }
0x63: {  	s31 =	simm.s32 @!p0 $0xC800;
	[sflag:s1] =	ssyncset.done @!p0 $0x0;
	s30 =	sadd.s32 @!p0 $0xFFFFC000, s30  }
0x64: {  	p1 =	seq.s32 @!p0 s28, $0xD000;
	[sflag:s1] =	ssyncadd.s32 @!p0 $0xFFFFE000;
	s1 =	sshrl.u32 @!p0 s30, $0x3  }
0x65: {  	p1 =	por p0, !p1;
	s30 =	simm.s32 @!p0 $0x0;
	s1 =	sadd.s32 @!p0 s4, s1  }
0x66: {  	[hbm4b:s1+s30] =	stream.linear.scatter @!p0 [tilespmem:s31], [sflag:$0x8], $0x2000, $0x38;
	[tilespmem:$0xE800] =	vst v63  }
.Ltmp7:
0x67: {  	_ = 	snop;
	(pc) =	sbr.rel @!p1 .LBB2_8-.Ltmp7, $4  }
0x68: {  	s1 =	simm.s32 @!p0 $0x7  }
0x69: {  	_ =	swait.ge @!p0 [sflag:s1], $0x2000  }
0x6a: {  	[sflag:s1] =	ssyncset.done @!p0 $0x0  }
0x6b: {  	s30 =	sadd.s32 @!p0 $0xFFFFFFFF, s26;
	[sflag:s1] =	ssyncadd.s32 @!p0 $0xFFFFE000  }
.Ltmp8:
0x6c: {  	(pc) =	sbr.rel .LBB2_8-.Ltmp8, $4  }
0x6d: {  	s30 =	simm.s32 @p0 $0x2  }
0x6e: {  	s1 =	sshll.u32 s30, $0x7  }
0x6f: {  	s1 =	sand.u32 $0x3FFFFF80, s1  }
0x70: {  	[tilespmem:s18], [sflag:$0x3] =	stream.indirect.gather [hbm4b:s3+s14], $0x40, s1, s14, $0xb8;
	[tilespmem:$0xE800] =	vst v63  }
.LBB2_10:
0x71: {  	_ =	sfence.sel $0x180000  }
0x72: {  	[bflag:$0x0] =	sbarrier.arrive $0xFFFF  }
0x73: {  	_ =	strace $0x90000047  }
0x74: {  	[bflag:$0x2] =	sbarrier.arrive $0xFFFF  }
0x75: {  	p0 =	sne.s32 s0, $0x0;
	s0 =	rddreg [dreg:$0x2]  }
0x76: {  	s0 =	sadd.s32 @!p0 $0x100000, s0  }
0x77: {  	[sflag:s0] =	ssyncadd.tile.s32 @!p0 $0x1;
	_ =	shalt  }
.Lfunc_end2:
_tile_overlayer_lowered:
.L_overlay_start_2:
0x78: {  	(tag) =	ssettag $0x2  }
0x79: {  	s0 =	rddreg [dreg:$0x0];
	s2 =	stileid.u32  }
0x7a: {  	s1 =	rddreg [dreg:$0x1];
	p0 =	sne.s32 s2, $0x0  }
0x7b: {  	s3 =	rddreg [dreg:$0x2];
	[bflag:$0x3] =	sbarrier.arrive $0xFFFF;
	s2 =	simm.s32 @!p0 $0x1C09  }
0x7c: {  	[timem:s3], [sflag:s2] =	dma.local @!p0 [hbm:s0], s1  }
0x7d: {  	s0 =	simm.s32 @!p0 $0x9  }
0x7e: {  	_ =	swait.ge @!p0 [sflag:s0], s1  }
0x7f: {  	s1 =	ssub.s32 @!p0 $0x0, s1;
	[sflag:s0] =	ssyncset.done @!p0 $0x0  }
0x80: {  	[sflag:s0] =	ssyncadd.s32 @!p0 s1  }
0x81: {  	[bflag:$0x3] =	sbarrier.arrive $0xFFFF  }
0x82: {  	_ =	shalt  }

// kernel: sparse-core-data-format-call.cloned.1.call-start
scs
called_computation_lowered:
.L_overlay_start_0:
0x0: {  	s2 =	sld [smem:$0x3FD9]  }
0x1: {  	s3 =	sld [smem:$0x3FFE];
	_ =	sdelay $0x1  }
0x2: {  	s1 =	srdreg.scid  }
0x3: {  	s0 =	sand.u32 $0x1, s1  }
0x4: {  	s18 =	sshll.u32 s0, $0xA;
	s2 =	sadd.s32 s3, s2  }
0x5: {  	s2 =	sadd.s32 s2, s18  }
0x6: {  	[smem:$0x3FC0] =	sst s2  }
0x7: {  	_ = 	snop  }
0x8: {  	s2 =	sld [smem:$0x3FD0];
	(tm) =	ssettm $0x1  }
0x9: {  	s19 =	sld [smem:$0x3FFB];
	_ =	sdelay $0x3  }
0xa: {  	_ =	strace s19  }
0xb: {  	s3 =	sld [smem:$0x3FFC];
	_ =	sdelay $0x3  }
0xc: {  	_ =	strace s3  }
0xd: {  	s3 =	sld [smem:$0x3FFD];
	_ =	sdelay $0x3  }
0xe: {  	_ =	strace s3  }
0xf: {  	_ =	strace $0x8FFFFFFF  }
0x10: {  	s20 =	sld [smem:$0x3FDB];
	_ =	sdelay $0x1  }
0x11: {  	s4 =	simm.s32 $_scs_section_size  }
0x12: {  	s5 =	simm.s32 $_size__tile_overlayer_lowered;
	s6 =	simm.s32 $_tile_overlayer_lowered  }
0x13: {  	s23 =	simm.s32 $0x1BFF;
	s22 =	sshll.u32 s6, $0x1;
	s3 =	sadd.s32 s4, s20  }
0x14: {  	s7 =	simm.s32 $0x0;
	s21 =	sshll.u32 s5, $0x1;
	s5 =	sadd.s32 s22, s3  }
0x15: {  	[timem:s7], [sflag:s23] =	dma.local [hbm:s5], s21  }
0x16: {  	_ =	swait.ge [sflag:s23], s21  }
0x17: {  	s4 =	ssub.s32 $0x0, s21;
	[sflag:s23] =	ssyncset.done $0x0  }
0x18: {  	[sflag:s23] =	ssyncadd.s32 s4;
	_ =	sdelay $0x1  }
0x19: {  	s24 =	simm.s32 $0x1B8B  }
0x1a: {  	_ =	swait.ge [sflag:s24], $0x1  }
0x1b: {  	[sflag:s24] =	ssyncset.done $0x0  }
0x1c: {  	s26 =	simm.s32 $0x1B8E;
	s25 =	sld [smem:$0x3FFE];
	[sflag:s24] =	ssyncadd.s32 $0xFFFFFFFF  }
0x1d: {  	s27 =	simm.s32 $execute0_lowered;
	[smem:$0x3FD2] =	sst s26  }
0x1e: {  	s5 =	sshll.u32 s27, $0x1;
	_ =	strace $0x80000049;
	[dreg:$0x1] =	wrdreg $0xFFFFFFFF  }
0x1f: {  	s28 =	simm.s32 $_size_execute0_lowered;
	s3 =	sadd.s32 s3, s5;
	[dreg:$0x0] =	wrdreg $0x0  }
0x20: {  	s5 =	sshll.u32 s28, $0x1;
	[dreg:$0x2] =	wrdreg s3  }
0x21: {  	[dreg:$0x3] =	wrdreg s5  }
0x22: {  	[dreg:$0x4] =	wrdreg $0xC0  }
0x23: {  	_ =	task [dreg:s7], $0x5FFFF  }
0x24: {  	[dreg:$0x1] =	wrdreg $0xFFFFFFFF  }
0x25: {  	[dreg:$0x0] =	wrdreg $0x60  }
0x26: {  	[dreg:$0x2] =	wrdreg s25  }
0x27: {  	[dreg:$0x3] =	wrdreg s2  }
0x28: {  	[dreg:$0x4] =	wrdreg $0x9  }
0x29: {  	_ =	task.clear_ibuf [dreg:s7], $0x5FFFF;
	_ =	strace $0x90000049  }
0x2a: {  	s29 =	simm.s32 $0x9;
	_ =	strace $0x8000004B  }
0x2b: {  	_ =	swait.ge [sflag:s29], $0x1  }
0x2c: {  	[sflag:s29] =	ssyncadd.s32 $0xFFFFFFFF  }
0x2d: {  	_ =	strace $0x9000004B  }
0x2e: {  	_ =	sfence  }
0x2f: {  	s30 =	sld [smem:$0x0];
	_ =	sdelay $0x2  }
0x30: {  	s31 =	sshll.u32 s1, $0xD;
	s1 =	sshrl.u32 s1, $0x2  }
0x31: {  	s3 =	sand.u32 $0x4000, s31;
	s1 =	sadd.s32 s1, s30  }
0x32: {  	s0 =	sor.u32 s3, s0;
	s1 =	sshll.u32 s1, $0x11  }
0x33: {  	s0 =	sor.u32 s1, s0  }
0x34: {  	s0 =	sadd.s32 $0x8F2B, s0  }
0x35: {  	[sflag:s0] =	ssyncadd.remote.s32 $0x1  }
0x36: {  	_ =	sfence.sel $0xFFFF  }
0x37: {  	[dreg:$0x0] =	wrdreg $0xFFFFFFFF;
	(pc) =	sbr.abs _section_cstart, $3  }
0x38: {  	[dreg:$0x1] =	wrdreg $0xFFFFFFFF  }
0x39: {  	_ =	task.clear_ibuf [dreg:s7], $0x2FFFF;
	_ =	strace $0x9FFFFFFF  }
0x3a: {  	(tm) =	ssettm $0x7FFFFFFF  }
0x3b: {  	_ =	shalt  }
tec
execute0_lowered:
.L_overlay_start_1:
0x0: {  	(tag) =	ssettag $0x1  }
0x1: {  	s0 =	stileid.u32;
	s7 =	rddreg [dreg:$0x0]  }
0x2: {  	s1 =	srdreg.scid;
	s3 =	rddreg [dreg:$0x1]  }
0x3: {  	s8 =	simm.s32 $0x54;
	s31 =	simm.s32 $0x2;
	s14 =	simm.s32 $0x0  }
0x4: {  	s9 =	simm.s32 $0x800;
	s16 =	simm.s32 $0x0;
	s15 =	simm.s32 $0x0  }
0x5: {  	s11 =	simm.s32 $0x0;
	s1 =	sshll.u32 s1, $0x4;
	s2 =	sshll.u32 s0, $0x7  }
0x6: {  	s13 =	simm.s32 $0x0;
	s1 =	sand.u32 $0x10, s1;
	s2 =	sand.u32 $0x80, s2  }
0x7: {  	s7 =	sadd.s32 $0xE00, s7;
	s1 =	sor.u32 s0, s1;
	s5 =	ssub.s32 $0x100, s2  }
0x8: {  	s4 =	sshrl.u32 s1, $0x1;
	s6 =	sshrl.u32 s5, $0x8;
	s30 =	sshrl.u32 s5, $0x7  }
.Ltmp0:
0x9: {  	s5 =	sand.u32 $0x1, s30;
	p0 =	seq.s32 s4, $0xF;
	(pc) =	sbr.rel .LBB1_1-.Ltmp0, $4  }
0xa: {  	s1 =	rddreg [dreg:$0x2];
	s6 =	sadd.s32 s6, s5;
	s8 =	simm.s32 @!p0 $0x69  }
0xb: {  	_ =	strace $0x8000004A;
	s5 =	simm.s32 $0x1;
	s6 =	smul.u32 s6, s8  }
0xc: {  	s12 =	smov.u32 s2;
	s10 =	smov.u32 s4;
	[sflag:s5] =	ssyncpa.u1 $0x0  }
0xd: {  	p0 =	por $0x0, $0x0;
	[sflag:s31] =	ssyncpa.u1 $0x0;
	s8 =	sadd.s32 $0x1, s6  }
.LBB1_4:
0xe: {  	s19 =	sand.u32 $0x780, s15;
	s16 =	smul.u32 $0x27800, s16  }
0xf: {  	s20 =	sshrl.u32 s15, $0x3;
	s19 =	sadd.s32 s3, s19  }
0x10: {  	[tilespmem:s18+$0x810 ss:$0x81] =	vst.msk $0xffff, v2;
	s31 =	sand.u32 $0x7, s15;
	s20 =	sand.u32 $0xF, s20;
	s16 =	sadd.s32 s16, s19  }
0x11: {  	[tilespmem:s18+$0x1020 ss:$0x81] =	vst.msk $0xffff, v0;
	s14 =	sshll.u32 s14, $0xB;
	s15 =	sshll.u32 s31, $0x12;
	s16 =	sadd.s32 s20, s16  }
0x12: {  	[tilespmem:s18+$0x0 ss:$0x81] =	vst.msk $0xffff, v1;
	s15 =	sor.u32 $0x400, s15;
	s14 =	sadd.s32 s14, s16  }
0x13: {  	[hbm4b:s14+s15] =	stream.strided.scatter [tilespmem:s17], [sflag:$0x2], $0x2000, s9, s15, $0x20;
	[tilespmem:$0x8080] =	vst v63  }
.LBB1_5:
0x14: {  	s17 =	sadd.s32 $0x10, s10  }
0x15: {  	s14 =	simm.s32 $0x1;
	p2 =	sgt.s32 s17, $0x4E  }
0x16: {  	s14 =	simm.s32 @!p2 $0x0  }
0x17: {  	s18 =	sadd.s32 s14, s11  }
0x18: {  	s20 =	smov.u32 s12;
	s14 =	sadd.s32 $0x100, s12;
	p3 =	sgt.s32 s18, $0x14  }
0x19: {  	s20 =	smov.u32 @p3 s14  }
0x1a: {  	p1 =	slt.u32 s13, $0x2;
	s17 =	smov.u32 @p2 s4;
	p2 =	sgt.s32 s20, $0xFF  }
0x1b: {  	s19 =	simm.s32 @!p1 $0x2;
	s20 =	smov.u32 @p2 s2;
	p2 =	sne.s32 s13, s8  }
.Ltmp1:
0x1c: {  	_ =	swait.ge @!p1 [sflag:s19], $0x2000;
	(pc) =	sbr.rel @!p2 .LBB1_6-.Ltmp1, $4  }
0x1d: {  	s16 =	smov.u32 s11;
	[sflag:s19] =	ssyncset.done @!p1 $0x0  }
0x1e: {  	s15 =	smov.u32 s12;
	p0 =	por !p0, !p0;
	[sflag:s19] =	ssyncadd.s32 @!p1 $0xFFFFE000  }
0x1f: {  	s18 =	simm.s32 @p3 $0x0;
	s14 =	smov.u32 s10;
	s10 =	smov.u32 s17  }
0x20: {  	s11 =	smov.u32 s18;
	s13 =	sadd.s32 $0x1, s13;
	s12 =	smov.u32 s20  }
.LBB1_1:
0x21: {  	p1 =	sge.u32 s13, s6  }
0x22: {  	s17 =	sand.u32 @!p1 $0x1FFFFFF, s10;
	s19 =	smul.u32 @!p1 $0x6900, s12  }
0x23: {  	s18 =	smulhi.u32 @!p1 $0x3333334, s17  }
0x24: {  	s21 =	smul.u32 @!p1 $0x500, s11  }
0x25: {  	s18 =	smul.u32 @!p1 $0x50, s18  }
0x26: {  	s31 =	sadd.s32 $0xFFFFFFFF, s13;
	s19 =	sadd.s32 @!p1 s7, s19  }
0x27: {  	s20 =	sxor.u32 @!p1 $0xFFFFFFFF, s13;
	s19 =	sadd.s32 @!p1 s21, s19;
	s17 =	ssub.s32 @!p1 s17, s18  }
0x28: {  	s18 =	sshll.u32 @!p1 s20, $0xD;
	s20 =	simm.s32 @!p1 $0x34800;
	s17 =	sshll.u32 @!p1 s17, $0x4  }
0x29: {  	s18 =	sand.u32 @!p1 $0x2000, s18;
	s17 =	sadd.s32 @!p1 s17, s19;
	s19 =	simm.s32 @!p1 $0x40  }
0x2a: {  	[tilespmem:s18], [sflag:$0x1] =	stream.strided.gather @!p1 [hbm4b:s17+s19], $0x2000, s20, s19, $0x38;
	[tilespmem:$0x8080] =	vst v63  }
0x2b: {  	p1 =	sge.u32 s31, s6  }
.Ltmp2:
0x2c: {  	_ = 	snop;
	(pc) =	sbr.rel @p1 .LBB1_5-.Ltmp2, $1  }
0x2d: {  	_ =	sdelay $0x3  }
0x2e: {  	s17 =	simm.s32 $0x1  }
0x2f: {  	_ =	swait.ge [sflag:s5], $0x2000;
	s17 =	simm.s32 @!p0 $0x0  }
0x30: {  	[sflag:s5] =	ssyncset.done $0x0;
	s18 =	sshll.u32 s17, $0xD  }
0x31: {  	[sflag:s5] =	ssyncadd.s32 $0xFFFFE000;
	s21 =	sor.u32 $0x20, s18  }
0x32: {  	s17 =	smul.u32 $0x8100, s17;
	v3 =	vld [tilespmem:s21+$0x10]  }
0x33: {  	s30 =	sand.u32 $0x1, s13;
	v2 =	vld [tilespmem:s21+$0xFFFFFFF0]  }
0x34: {  	s18 =	smul.u32 $0x8100, s30;
	s17 =	sshrl.u32 s17, $0x2;
	v0 =	vld [tilespmem:s21+$0x0]  }
0x35: {  	v1 =	vld [tilespmem:s21+$0xFFFFFFE0];
	s19 =	sor.u32 $0x4000, s17  }
0x36: {  	s31 =	sshrl.u32 s18, $0x2;
	s18 =	sadd.s32 $0x0, s19  }
0x37: {  	s20 =	simm.s32 $0x4;
	s21 =	sadd.s32 $0x40, s21;
	s17 =	sor.u32 $0x4000, s31;
	[tilespmem:s18+$0x1830 ss:$0x81] =	vst.msk $0xffff, v3  }
.LBB1_3:
0x38: {  	v3 =	vld [tilespmem:s21+$0x10];
	p1 =	sne.s32 s20, $0x1FC;
	[tilespmem:s18+$0x810 ss:$0x81] =	vst.msk $0xffff, v2;
	s22 =	smov.u32 s20;
	s20 =	sadd.s32 $0x4, s20  }
.Ltmp3:
0x39: {  	v2 =	vld [tilespmem:s21+$0xFFFFFFF0];
	[tilespmem:s18+$0x1020 ss:$0x81] =	vst.msk $0xffff, v0;
	(pc) =	sbr.rel @p1 .LBB1_3-.Ltmp3, $4  }
0x3a: {  	v0 =	vld [tilespmem:s21+$0x0];
	[tilespmem:s18+$0x0 ss:$0x81] =	vst.msk $0xffff, v1  }
0x3b: {  	s18 =	sshra.s32 s22, $0x2;
	v1 =	vld [tilespmem:s21+$0xFFFFFFE0]  }
0x3c: {  	s18 =	sadd.s32 s18, s19  }
0x3d: {  	s21 =	sadd.s32 $0x40, s21;
	[tilespmem:s18+$0x1830 ss:$0x81] =	vst.msk $0xffff, v3  }
.Ltmp4:
0x3e: {  	_ = 	snop;
	(pc) =	sbr.rel .LBB1_4-.Ltmp4, $1  }
0x3f: {  	_ =	sdelay $0x3  }
.LBB1_6:
0x40: {  	_ =	sfence.sel $0x180000  }
0x41: {  	s2 =	simm.s32 $0x1;
	[bflag:$0x0] =	sbarrier.arrive $0xFFFF  }
0x42: {  	s31 =	simm.s32 $0x2;
	[sflag:s2] =	ssyncpa.u1 $0x1  }
0x43: {  	[sflag:s31] =	ssyncpa.u1 $0x1  }
0x44: {  	p0 =	sne.s32 s0, $0x0;
	_ =	strace $0x9000004A  }
0x45: {  	s0 =	sadd.s32 @!p0 $0x100000, s1;
	[bflag:$0x2] =	sbarrier.arrive $0xFFFF  }
0x46: {  	[sflag:s0] =	ssyncadd.tile.s32 @!p0 $0x1;
	_ =	shalt  }
.Lfunc_end1:
_tile_overlayer_lowered:
.L_overlay_start_2:
0x47: {  	(tag) =	ssettag $0x2  }
0x48: {  	s0 =	rddreg [dreg:$0x0];
	s2 =	stileid.u32  }
0x49: {  	s1 =	rddreg [dreg:$0x1];
	p0 =	sne.s32 s2, $0x0  }
0x4a: {  	s3 =	rddreg [dreg:$0x2];
	[bflag:$0x3] =	sbarrier.arrive $0xFFFF;
	s2 =	simm.s32 @!p0 $0x1C01  }
0x4b: {  	[timem:s3], [sflag:s2] =	dma.local @!p0 [hbm:s0], s1  }
0x4c: {  	s0 =	simm.s32 @!p0 $0x1  }
0x4d: {  	_ =	swait.ge @!p0 [sflag:s0], s1  }
0x4e: {  	s1 =	ssub.s32 @!p0 $0x0, s1;
	[sflag:s0] =	ssyncset.done @!p0 $0x0  }
0x4f: {  	[sflag:s0] =	ssyncadd.s32 @!p0 s1  }
0x50: {  	[bflag:$0x3] =	sbarrier.arrive $0xFFFF  }
0x51: {  	_ =	shalt  }

</sc_bundles>
